<compile_context>
chip_gen: v7x
topology: tpu7x:2x2x1
jax: 0.10.2.dev20260603
libtpu: 0.0.44.dev20260713+nightly
codegen_flags: <defaults>
</compile_context>

<pallas_src>
import functools

import jax
import jax.numpy as jnp
from jax import lax
from jax.experimental import pallas as pl
from jax.experimental.pallas import tpu as pltpu
from jax.experimental.pallas import tpu_sc as plsc

N = 10000
E = 320000
EMB = 256
CD = 101
H = 128
G = 64
L = 3

NC = 2
NS = 16
NW = NC * NS
CH = 128
NCHUNK = 80
EPW = CH * NCHUNK
EPAD = EPW * NW
NP = 10112
ZR = NP // NS

def _edge_agg_body(m_hbm, src_hbm, dst_hbm, zeros_hbm, out_hbm,
                   src_v, dst_v, rows_v, acc_sh, sem):
    c = lax.axis_index("c")
    s = lax.axis_index("s")
    wid = c * NS + s
    pltpu.sync_copy(zeros_hbm, acc_sh.at[pl.ds(s * ZR, ZR)])
    plsc.subcore_barrier()

    def body(j, _):
        base = pl.multiple_of(wid * EPW + j * CH, CH)
        pltpu.sync_copy(src_hbm.at[pl.ds(base, CH)], src_v)
        pltpu.sync_copy(dst_hbm.at[pl.ds(base, CH)], dst_v)
        pltpu.async_copy(m_hbm.at[src_v], rows_v, sem).wait()
        pltpu.sync_copy(rows_v, acc_sh.at[dst_v], add=True)
        return 0

    lax.fori_loop(0, NCHUNK, body, 0)
    plsc.subcore_barrier()
    pltpu.sync_copy(acc_sh.at[pl.ds(s * ZR, ZR)],
                    out_hbm.at[c, pl.ds(s * ZR, ZR)])


@functools.cache
def _make_edge_agg():
    mesh = plsc.VectorSubcoreMesh(core_axis_name="c", subcore_axis_name="s")
    return pl.kernel(
        _edge_agg_body,
        out_type=jax.ShapeDtypeStruct((NC, NP, H), jnp.float32),
        mesh=mesh,
        scratch_types=[
            pltpu.VMEM((CH,), jnp.int32),
            pltpu.VMEM((CH,), jnp.int32),
            pltpu.VMEM((CH, H), jnp.float32),
            pltpu.VMEM_SHARED((NP, H), jnp.float32),
            pltpu.SemaphoreType.DMA,
        ],
    )


def _edge_agg(m, src, dst, zeros_blk):
    return _make_edge_agg()(m, src, dst, zeros_blk)


BN = 1000
NBLK = N // BN


def _pre_body(x_ref, wenc_ref, benc_ref, w0_ref, h0_ref, m0_ref):
    h0 = jnp.maximum(
        jnp.dot(x_ref[...], wenc_ref[...], preferred_element_type=jnp.float32)
        + benc_ref[...], 0.0)
    h0_ref[...] = h0
    m0_ref[...] = jnp.dot(h0, w0_ref[...], preferred_element_type=jnp.float32)


def _pre(x, wencp, bencp, w0):
    return pl.pallas_call(
        _pre_body,
        grid=(NBLK,),
        in_specs=[
            pl.BlockSpec((BN, EMB), lambda i: (i, 0)),
            pl.BlockSpec((EMB, H), lambda i: (0, 0)),
            pl.BlockSpec((1, H), lambda i: (0, 0)),
            pl.BlockSpec((H, H), lambda i: (0, 0)),
        ],
        out_specs=[
            pl.BlockSpec((BN, H), lambda i: (i, 0)),
            pl.BlockSpec((BN, H), lambda i: (i, 0)),
        ],
        out_shape=[
            jax.ShapeDtypeStruct((N, H), jnp.float32),
            jax.ShapeDtypeStruct((N, H), jnp.float32),
        ],
    )(x, wencp, bencp, w0)


def _gru_body(compute_m, aggp_ref, h_ref, wih_ref, whh_ref, bih_ref, bhh_ref,
              wnext_ref, h_out_ref, m_out_ref):
    agg = aggp_ref[0] + aggp_ref[1]
    h = h_ref[...]
    gi = jnp.dot(agg, wih_ref[...], preferred_element_type=jnp.float32) + bih_ref[...]
    gh = jnp.dot(h, whh_ref[...], preferred_element_type=jnp.float32) + bhh_ref[...]
    r = jax.nn.sigmoid(gi[:, :H] + gh[:, :H])
    z = jax.nn.sigmoid(gi[:, H:2 * H] + gh[:, H:2 * H])
    n = jnp.tanh(gi[:, 2 * H:] + r * gh[:, 2 * H:])
    h_new = (1.0 - z) * n + z * h
    h_out_ref[...] = h_new
    if compute_m:
        m_out_ref[...] = jnp.dot(h_new, wnext_ref[...],
                                 preferred_element_type=jnp.float32)
    else:
        m_out_ref[...] = h_new


def _gru(aggp, h, wih_t, whh_t, bih, bhh, wnext, compute_m):
    return pl.pallas_call(
        functools.partial(_gru_body, compute_m),
        grid=(NBLK,),
        in_specs=[
            pl.BlockSpec((NC, BN, H), lambda i: (0, i, 0)),
            pl.BlockSpec((BN, H), lambda i: (i, 0)),
            pl.BlockSpec((H, 3 * H), lambda i: (0, 0)),
            pl.BlockSpec((H, 3 * H), lambda i: (0, 0)),
            pl.BlockSpec((1, 3 * H), lambda i: (0, 0)),
            pl.BlockSpec((1, 3 * H), lambda i: (0, 0)),
            pl.BlockSpec((H, H), lambda i: (0, 0)),
        ],
        out_specs=[
            pl.BlockSpec((BN, H), lambda i: (i, 0)),
            pl.BlockSpec((BN, H), lambda i: (i, 0)),
        ],
        out_shape=[
            jax.ShapeDtypeStruct((N, H), jnp.float32),
            jax.ShapeDtypeStruct((N, H), jnp.float32),
        ],
    )(aggp, h, wih_t, whh_t, bih, bhh, wnext)


def _pool_body(h_ref, c_ref, b_ref, w1h_ref, w1c_ref, b1_ref, w2_ref, b2_ref,
               w3_ref, b3_ref, out_ref, acc_h, acc_c, acc_n):
    i = pl.program_id(0)

    @pl.when(i == 0)
    def _init():
        acc_h[...] = jnp.zeros_like(acc_h)
        acc_c[...] = jnp.zeros_like(acc_c)
        acc_n[...] = jnp.zeros_like(acc_n)

    bb = b_ref[0, 0, :]
    seg = lax.broadcasted_iota(jnp.int32, (BN, G), 1)
    onehot = (bb[:, None] == seg).astype(jnp.float32)
    acc_h[...] += lax.dot_general(onehot, h_ref[...], (((0,), (0,)), ((), ())),
                                  preferred_element_type=jnp.float32)
    acc_c[...] += lax.dot_general(onehot, c_ref[...], (((0,), (0,)), ((), ())),
                                  preferred_element_type=jnp.float32)
    acc_n[...] += jnp.sum(onehot, axis=0)[None, :]

    @pl.when(i == NBLK - 1)
    def _finish():
        inv = 1.0 / jnp.maximum(acc_n[0, :], 1.0)
        gh = acc_h[...] * inv[:, None]
        gc = acc_c[...] * inv[:, None]
        h1 = jnp.maximum(
            jnp.dot(gh, w1h_ref[...], preferred_element_type=jnp.float32)
            + jnp.dot(gc, w1c_ref[...], preferred_element_type=jnp.float32)
            + b1_ref[...], 0.0)
        h2 = jnp.maximum(
            jnp.dot(h1, w2_ref[...], preferred_element_type=jnp.float32)
            + b2_ref[...], 0.0)
        logits = jnp.dot(h2, w3_ref[...], preferred_element_type=jnp.float32) \
            + b3_ref[...]
        out_ref[...] = jax.nn.sigmoid(logits)


def _pool_mlp(h, c, batch3, w1h, w1c, b1, w2, b2, w3p, b3p):
    return pl.pallas_call(
        _pool_body,
        grid=(NBLK,),
        in_specs=[
            pl.BlockSpec((BN, H), lambda i: (i, 0)),
            pl.BlockSpec((BN, H), lambda i: (i, 0)),
            pl.BlockSpec((1, 1, BN), lambda i: (i, 0, 0)),
            pl.BlockSpec((H, 256), lambda i: (0, 0)),
            pl.BlockSpec((H, 256), lambda i: (0, 0)),
            pl.BlockSpec((1, 256), lambda i: (0, 0)),
            pl.BlockSpec((256, H), lambda i: (0, 0)),
            pl.BlockSpec((1, H), lambda i: (0, 0)),
            pl.BlockSpec((H, H), lambda i: (0, 0)),
            pl.BlockSpec((1, H), lambda i: (0, 0)),
        ],
        out_specs=pl.BlockSpec((G, H), lambda i: (0, 0)),
        out_shape=jax.ShapeDtypeStruct((G, H), jnp.float32),
        scratch_shapes=[
            pltpu.VMEM((G, H), jnp.float32),
            pltpu.VMEM((G, H), jnp.float32),
            pltpu.VMEM((1, G), jnp.float32),
        ],
    )(h, c, batch3, w1h, w1c, b1, w2, b2, w3p, b3p)


def kernel(x, edge_index, batch, W_enc, b_enc, ggnn_w, gru_w_ih, gru_w_hh,
           gru_b_ih, gru_b_hh, c_w1, c_b1, c_w2, c_b2, c_w3, c_b3):
    f32 = jnp.float32
    wencp = jnp.pad(W_enc, ((0, 0), (0, H - CD)))
    bencp = jnp.pad(b_enc, (0, H - CD)).reshape(1, H)
    wih_t = gru_w_ih.T
    whh_t = gru_w_hh.T
    bih = gru_b_ih.reshape(1, 3 * H)
    bhh = gru_b_hh.reshape(1, 3 * H)
    w1h = c_w1[:, :H].T
    w1c = jnp.pad(c_w1[:, H:], ((0, 0), (0, H - CD))).T
    b1 = c_b1.reshape(1, 256)
    w2 = c_w2.T
    b2 = c_b2.reshape(1, H)
    w3p = jnp.pad(c_w3, ((0, H - 1), (0, 0))).T
    b3p = jnp.pad(c_b3, (0, H - 1)).reshape(1, H)

    src = jnp.concatenate([edge_index[0],
                           jnp.zeros((EPAD - E,), jnp.int32)])
    dst = jnp.concatenate([edge_index[1],
                           jnp.full((EPAD - E,), N, jnp.int32)])
    zeros_blk = jnp.zeros((ZR, H), f32)
    batch3 = batch.reshape(NBLK, 1, BN)

    h, m = _pre(x, wencp, bencp, ggnn_w[0])
    h0 = h
    for i in range(L):
        aggp = _edge_agg(m, src, dst, zeros_blk)
        h, m = _gru(aggp, h, wih_t, whh_t, bih, bhh,
                    ggnn_w[(i + 1) % L], compute_m=(i < L - 1))
    out = _pool_mlp(h, h0, batch3, w1h, w1c, b1, w2, b2, w3p, b3p)
    return out[:, :1]

# --- scband reference (transcript-rebuilt; emitter-appended) ---
"""Pipeline reference for scband-devign2-15814069584309 (READ-ONLY COPY).

The authoritative reference and input builder live on the scoring server;
editing this copy changes nothing except your own understanding.
"""

import jax, jax.numpy as jnp
import numpy as np

N = 10000
E = 320000
EMB = 256
CD = 101
H = 128
L = 3
G = 64


def setup_inputs(seed: int = 0) -> dict:
    key = jax.random.key(seed)
    ks = jax.random.split(key, 20)
    s = 0.05
    x = jax.random.normal(ks[0], (N, EMB), dtype=jnp.float32)
    edge_index = jax.random.randint(ks[1], (2, E), 0, N, dtype=jnp.int32)
    batch = jnp.sort(jax.random.randint(ks[2], (N,), 0, G, dtype=jnp.int32))
    W_enc = jax.random.normal(ks[3], (EMB, CD), dtype=jnp.float32) * s
    b_enc = jnp.zeros((CD,), dtype=jnp.float32)
    ggnn_w = jax.random.normal(ks[4], (L, H, H), dtype=jnp.float32) * s
    gru_w_ih = jax.random.normal(ks[5], (3 * H, H), dtype=jnp.float32) * s
    gru_w_hh = jax.random.normal(ks[6], (3 * H, H), dtype=jnp.float32) * s
    gru_b_ih = jnp.zeros((3 * H,), dtype=jnp.float32)
    gru_b_hh = jnp.zeros((3 * H,), dtype=jnp.float32)
    c_w1 = jax.random.normal(ks[7], (256, H + CD), dtype=jnp.float32) * s
    c_b1 = jnp.zeros((256,), dtype=jnp.float32)
    c_w2 = jax.random.normal(ks[8], (128, 256), dtype=jnp.float32) * s
    c_b2 = jnp.zeros((128,), dtype=jnp.float32)
    c_w3 = jax.random.normal(ks[9], (1, 128), dtype=jnp.float32) * s
    c_b3 = jnp.zeros((1,), dtype=jnp.float32)
    return {"x": x, "edge_index": edge_index, "batch": batch, "W_enc": W_enc, "b_enc": b_enc,
            "ggnn_w": ggnn_w, "gru_w_ih": gru_w_ih, "gru_w_hh": gru_w_hh,
            "gru_b_ih": gru_b_ih, "gru_b_hh": gru_b_hh,
            "c_w1": c_w1, "c_b1": c_b1, "c_w2": c_w2, "c_b2": c_b2, "c_w3": c_w3, "c_b3": c_b3}


def reference(x, edge_index, batch, W_enc, b_enc, ggnn_w, gru_w_ih, gru_w_hh,
              gru_b_ih, gru_b_hh, c_w1, c_b1, c_w2, c_b2, c_w3, c_b3):
    # frozen autoencoder compress (torch.no_grad)
    compressed = jax.lax.stop_gradient(jax.nn.relu(x @ W_enc + b_enc))  # [N, CD]
    # GatedGraphConv: pad input features to out_channels
    h = jnp.pad(compressed, ((0, 0), (0, H - CD)))  # [N, H]
    src = edge_index[0]
    dst = edge_index[1]
    for i in range(L):
        m = h @ ggnn_w[i]  # [N, H]
        agg = jax.ops.segment_sum(m[src], dst, num_segments=N)  # scatter-add to dst
        # shared GRUCell update: h = GRU(agg, h)
        gi = agg @ gru_w_ih.T + gru_b_ih
        gh = h @ gru_w_hh.T + gru_b_hh
        i_r, i_z, i_n = jnp.split(gi, 3, axis=1)
        h_r, h_z, h_n = jnp.split(gh, 3, axis=1)
        r = jax.nn.sigmoid(i_r + h_r)
        z = jax.nn.sigmoid(i_z + h_z)
        n = jnp.tanh(i_n + r * h_n)
        h = (1.0 - z) * n + z * h
    final = jnp.concatenate([h, compressed], axis=1)  # [N, H+CD]
    counts = jax.ops.segment_sum(jnp.ones((N,), dtype=jnp.float32), batch, num_segments=G)
    graph = jax.ops.segment_sum(final, batch, num_segments=G) / jnp.clip(counts, 1.0)[:, None]
    h1 = jax.nn.relu(graph @ c_w1.T + c_b1)
    h2 = jax.nn.relu(h1 @ c_w2.T + c_b2)
    logits = h2 @ c_w3.T + c_b3
    return jax.nn.sigmoid(logits)

if __name__ == "__main__":
    import jax
    _d = setup_inputs()
    print(jax.jit(kernel)(*tuple(_d.values())))

</pallas_src>

<mosaic_0001>
#map = affine_map<(d0, d1) -> (0, 0)>
#map1 = affine_map<(d0, d1) -> (0)>
#map2 = affine_map<(d0, d1) -> (0, 0, 0)>
module attributes {stable_mosaic.version = 14 : i64} {
  func.func @_edge_agg_body(%arg0: i32, %arg1: i32, %arg2: memref<10000x128xf32, #tpu.memory_space<hbm>>, %arg3: memref<327680xi32, #tpu.memory_space<hbm>>, %arg4: memref<327680xi32, #tpu.memory_space<hbm>>, %arg5: memref<632x128xf32, #tpu.memory_space<hbm>>, %arg6: memref<2x10112x128xf32, #tpu.memory_space<hbm>>, %arg7: memref<128xi32, #tpu.memory_space<vmem>>, %arg8: memref<128xi32, #tpu.memory_space<vmem>>, %arg9: memref<128x128xf32, #tpu.memory_space<vmem>>, %arg10: memref<10112x128xf32, #tpu.memory_space<vmem_shared>>, %arg11: memref<!tpu.dma_semaphore, #tpu.memory_space<semaphore_mem>>) attributes {dimension_semantics = [#tpu.dimension_semantics<core_parallel>, #tpu.dimension_semantics<subcore_parallel>], iteration_bounds = array<i64: 2, 16>, scalar_prefetch = 0 : i64, scratch_operands = 5 : i64, tpu.core_type = #tpu.core_type<sc_vector_subcore>, window_params = [{transform_indices = #map}, {transform_indices = #map1}, {transform_indices = #map1}, {transform_indices = #map}, {transform_indices = #map2}]} {
    %mul3A = arith.constant 16 : i32
    %mul3A_0 = arith.muli %arg0, %mul3A : i32
    %add3A = arith.addi %mul3A_0, %arg1 : i32
    %mul3A_1 = arith.constant 632 : i32
    %mul3A_2 = arith.muli %arg1, %mul3A_1 : i32
    "tpu.region"() ({
      %run_scoped3A = tpu.sem_alloc : memref<!tpu.dma_semaphore, #tpu.memory_space<semaphore_mem>>
      %dma_start3A = arith.constant 0 : i32
      %dma_start3A_14 = tpu.memref_slice %arg10[%mul3A_2, %dma_start3A] : memref<10112x128xf32, #tpu.memory_space<vmem_shared>> -> memref<632x128xf32, #tpu.memory_space<vmem_shared>>
      tpu.enqueue_dma source(%arg5 : memref<632x128xf32, #tpu.memory_space<hbm>>) target(%dma_start3A_14 : memref<632x128xf32, #tpu.memory_space<vmem_shared>>) target_semaphore(%run_scoped3A : memref<!tpu.dma_semaphore, #tpu.memory_space<semaphore_mem>>)
      %dma_wait3A = arith.constant 0 : i32
      %dma_wait3A_15 = tpu.memref_slice %arg10[%mul3A_2, %dma_wait3A] : memref<10112x128xf32, #tpu.memory_space<vmem_shared>> -> memref<632x128xf32, #tpu.memory_space<vmem_shared>>
      tpu.wait_dma2 semaphore(%run_scoped3A : memref<!tpu.dma_semaphore, #tpu.memory_space<semaphore_mem>>) src(%arg5 : memref<632x128xf32, #tpu.memory_space<hbm>>) dst(%dma_wait3A_15 : memref<632x128xf32, #tpu.memory_space<vmem_shared>>)
      tpu.yield
    }) : () -> ()
    %barrier3A = arith.constant 0 : index
    tpu.barrier barrier_id(%barrier3A)
    %scan3A = arith.constant 0 : i32
    %scan3A_3 = arith.constant 0 : i32
    %scan3A_4 = arith.constant 80 : i32
    %scan3A_5 = arith.addi %scan3A_3, %scan3A_4 : i32
    %scan3A_6 = arith.constant 1 : i32
    %scan3A_7 = scf.for %scan3A_14 = %scan3A_3 to %scan3A_5 step %scan3A_6 iter_args(%scan3A_15 = %scan3A) -> (i32)  : i32 {
      %mul3A_16 = arith.constant 10240 : i32
      %mul3A_17 = arith.muli %add3A, %mul3A_16 : i32
      %mul3A_18 = arith.constant 128 : i32
      %mul3A_19 = arith.muli %scan3A_14, %mul3A_18 : i32
      %add3A_20 = arith.addi %mul3A_17, %mul3A_19 : i32
      %multiple_of3A = tpu.assume_multiple %add3A_20, 128 : i32
      "tpu.region"() ({
        %run_scoped3A = tpu.sem_alloc : memref<!tpu.dma_semaphore, #tpu.memory_space<semaphore_mem>>
        %dma_start3A_26 = tpu.memref_slice %arg3[%multiple_of3A] : memref<327680xi32, #tpu.memory_space<hbm>> -> memref<128xi32, #tpu.memory_space<hbm>>
        %dma_start3A_27 = tpu.memref_slice %arg3[%multiple_of3A] : memref<327680xi32, #tpu.memory_space<hbm>> -> memref<128xi32, #tpu.memory_space<hbm>>
        tpu.enqueue_dma source(%dma_start3A_27 : memref<128xi32, #tpu.memory_space<hbm>>) target(%arg7 : memref<128xi32, #tpu.memory_space<vmem>>) target_semaphore(%run_scoped3A : memref<!tpu.dma_semaphore, #tpu.memory_space<semaphore_mem>>)
        %dma_wait3A_28 = tpu.memref_slice %arg3[%multiple_of3A] : memref<327680xi32, #tpu.memory_space<hbm>> -> memref<128xi32, #tpu.memory_space<hbm>>
        %dma_wait3A_29 = tpu.memref_slice %arg3[%multiple_of3A] : memref<327680xi32, #tpu.memory_space<hbm>> -> memref<128xi32, #tpu.memory_space<hbm>>
        tpu.wait_dma2 semaphore(%run_scoped3A : memref<!tpu.dma_semaphore, #tpu.memory_space<semaphore_mem>>) src(%dma_wait3A_29 : memref<128xi32, #tpu.memory_space<hbm>>) dst(%arg7 : memref<128xi32, #tpu.memory_space<vmem>>)
        tpu.yield
      }) : () -> ()
      "tpu.region"() ({
        %run_scoped3A = tpu.sem_alloc : memref<!tpu.dma_semaphore, #tpu.memory_space<semaphore_mem>>
        %dma_start3A_26 = tpu.memref_slice %arg4[%multiple_of3A] : memref<327680xi32, #tpu.memory_space<hbm>> -> memref<128xi32, #tpu.memory_space<hbm>>
        %dma_start3A_27 = tpu.memref_slice %arg4[%multiple_of3A] : memref<327680xi32, #tpu.memory_space<hbm>> -> memref<128xi32, #tpu.memory_space<hbm>>
        tpu.enqueue_dma source(%dma_start3A_27 : memref<128xi32, #tpu.memory_space<hbm>>) target(%arg8 : memref<128xi32, #tpu.memory_space<vmem>>) target_semaphore(%run_scoped3A : memref<!tpu.dma_semaphore, #tpu.memory_space<semaphore_mem>>)
        %dma_wait3A_28 = tpu.memref_slice %arg4[%multiple_of3A] : memref<327680xi32, #tpu.memory_space<hbm>> -> memref<128xi32, #tpu.memory_space<hbm>>
        %dma_wait3A_29 = tpu.memref_slice %arg4[%multiple_of3A] : memref<327680xi32, #tpu.memory_space<hbm>> -> memref<128xi32, #tpu.memory_space<hbm>>
        tpu.wait_dma2 semaphore(%run_scoped3A : memref<!tpu.dma_semaphore, #tpu.memory_space<semaphore_mem>>) src(%dma_wait3A_29 : memref<128xi32, #tpu.memory_space<hbm>>) dst(%arg8 : memref<128xi32, #tpu.memory_space<vmem>>)
        tpu.yield
      }) : () -> ()
      %dma_start3A = arith.constant 0 : i32
      %dma_start3A_21 = arith.constant 0 : i32
      %dma_start3A_22 = tpu.memref_slice %arg2[%dma_start3A, %dma_start3A_21] : memref<10000x128xf32, #tpu.memory_space<hbm>> -> memref<10000x128xf32, #tpu.memory_space<hbm>>
      tpu.enqueue_indirect_dma source(%dma_start3A_22 : memref<10000x128xf32, #tpu.memory_space<hbm>>) target(%arg9 : memref<128x128xf32, #tpu.memory_space<vmem>>) offsets(%arg7 : memref<128xi32, #tpu.memory_space<vmem>>) semaphore(%arg11 : memref<!tpu.dma_semaphore, #tpu.memory_space<semaphore_mem>>)
      %dma_wait3A = arith.constant 0 : i32
      %dma_wait3A_23 = arith.constant 0 : i32
      %dma_wait3A_24 = tpu.memref_slice %arg2[%dma_wait3A, %dma_wait3A_23] : memref<10000x128xf32, #tpu.memory_space<hbm>> -> memref<10000x128xf32, #tpu.memory_space<hbm>>
      tpu.wait_indirect_dma semaphore(%arg11 : memref<!tpu.dma_semaphore, #tpu.memory_space<semaphore_mem>>) src(%dma_wait3A_24 : memref<10000x128xf32, #tpu.memory_space<hbm>>) dst(%arg9 : memref<128x128xf32, #tpu.memory_space<vmem>>)
      "tpu.region"() ({
        %run_scoped3A = tpu.sem_alloc : memref<!tpu.dma_semaphore, #tpu.memory_space<semaphore_mem>>
        %dma_start3A_26 = arith.constant 0 : i32
        %dma_start3A_27 = arith.constant 0 : i32
        %dma_start3A_28 = tpu.memref_slice %arg10[%dma_start3A_26, %dma_start3A_27] : memref<10112x128xf32, #tpu.memory_space<vmem_shared>> -> memref<10112x128xf32, #tpu.memory_space<vmem_shared>>
        tpu.enqueue_indirect_dma source(%arg9 : memref<128x128xf32, #tpu.memory_space<vmem>>) target(%dma_start3A_28 : memref<10112x128xf32, #tpu.memory_space<vmem_shared>>) offsets(%arg8 : memref<128xi32, #tpu.memory_space<vmem>>) semaphore(%run_scoped3A : memref<!tpu.dma_semaphore, #tpu.memory_space<semaphore_mem>>) {add = true}
        %dma_wait3A_29 = arith.constant 0 : i32
        %dma_wait3A_30 = arith.constant 0 : i32
        %dma_wait3A_31 = tpu.memref_slice %arg10[%dma_wait3A_29, %dma_wait3A_30] : memref<10112x128xf32, #tpu.memory_space<vmem_shared>> -> memref<10112x128xf32, #tpu.memory_space<vmem_shared>>
        tpu.wait_indirect_dma semaphore(%run_scoped3A : memref<!tpu.dma_semaphore, #tpu.memory_space<semaphore_mem>>) src(%arg9 : memref<128x128xf32, #tpu.memory_space<vmem>>) dst(%dma_wait3A_31 : memref<10112x128xf32, #tpu.memory_space<vmem_shared>>)
        tpu.yield
      }) : () -> ()
      %scan3A_25 = arith.constant 0 : i32
      scf.yield %scan3A_25 : i32
    }
    %scan3A_8 = arith.constant 80 : i32
    %barrier3A_9 = arith.constant 0 : index
    tpu.barrier barrier_id(%barrier3A_9)
    %mul3A_10 = arith.constant 632 : i32
    %mul3A_11 = arith.muli %arg1, %mul3A_10 : i32
    %mul3A_12 = arith.constant 632 : i32
    %mul3A_13 = arith.muli %arg1, %mul3A_12 : i32
    "tpu.region"() ({
      %run_scoped3A = tpu.sem_alloc : memref<!tpu.dma_semaphore, #tpu.memory_space<semaphore_mem>>
      %dma_start3A = arith.constant 0 : i32
      %dma_start3A_14 = tpu.memref_slice %arg6[%arg0, %mul3A_13, %dma_start3A] : memref<2x10112x128xf32, #tpu.memory_space<hbm>> -> memref<1x632x128xf32, #tpu.memory_space<hbm>>
      %dma_start3A_15 = tpu.memref_squeeze %dma_start3A_14 : memref<1x632x128xf32, #tpu.memory_space<hbm>> -> memref<632x128xf32, #tpu.memory_space<hbm>>
      %dma_start3A_16 = arith.constant 0 : i32
      %dma_start3A_17 = tpu.memref_slice %arg10[%mul3A_11, %dma_start3A_16] : memref<10112x128xf32, #tpu.memory_space<vmem_shared>> -> memref<632x128xf32, #tpu.memory_space<vmem_shared>>
      tpu.enqueue_dma source(%dma_start3A_17 : memref<632x128xf32, #tpu.memory_space<vmem_shared>>) target(%dma_start3A_15 : memref<632x128xf32, #tpu.memory_space<hbm>>) target_semaphore(%run_scoped3A : memref<!tpu.dma_semaphore, #tpu.memory_space<semaphore_mem>>)
      %dma_wait3A = arith.constant 0 : i32
      %dma_wait3A_18 = tpu.memref_slice %arg6[%arg0, %mul3A_13, %dma_wait3A] : memref<2x10112x128xf32, #tpu.memory_space<hbm>> -> memref<1x632x128xf32, #tpu.memory_space<hbm>>
      %dma_wait3A_19 = tpu.memref_squeeze %dma_wait3A_18 : memref<1x632x128xf32, #tpu.memory_space<hbm>> -> memref<632x128xf32, #tpu.memory_space<hbm>>
      %dma_wait3A_20 = arith.constant 0 : i32
      %dma_wait3A_21 = tpu.memref_slice %arg10[%mul3A_11, %dma_wait3A_20] : memref<10112x128xf32, #tpu.memory_space<vmem_shared>> -> memref<632x128xf32, #tpu.memory_space<vmem_shared>>
      tpu.wait_dma2 semaphore(%run_scoped3A : memref<!tpu.dma_semaphore, #tpu.memory_space<semaphore_mem>>) src(%dma_wait3A_21 : memref<632x128xf32, #tpu.memory_space<vmem_shared>>) dst(%dma_wait3A_19 : memref<632x128xf32, #tpu.memory_space<hbm>>)
      tpu.yield
    }) : () -> ()
    return
  }
}

#map = affine_map<(d0, d1) -> (0, 0)>
#map1 = affine_map<(d0, d1) -> (0)>
#map2 = affine_map<(d0, d1) -> (0, 0, 0)>
module attributes {stable_mosaic.version = 14 : i64} {
  func.func @_edge_agg_body(%arg0: i32, %arg1: i32, %arg2: memref<10000x128xf32, #tpu.memory_space<hbm>>, %arg3: memref<327680xi32, #tpu.memory_space<hbm>>, %arg4: memref<327680xi32, #tpu.memory_space<hbm>>, %arg5: memref<632x128xf32, #tpu.memory_space<hbm>>, %arg6: memref<2x10112x128xf32, #tpu.memory_space<hbm>>, %arg7: memref<128xi32, #tpu.memory_space<vmem>>, %arg8: memref<128xi32, #tpu.memory_space<vmem>>, %arg9: memref<128x128xf32, #tpu.memory_space<vmem>>, %arg10: memref<10112x128xf32, #tpu.memory_space<vmem_shared>>, %arg11: memref<!tpu.dma_semaphore, #tpu.memory_space<semaphore_mem>>) attributes {dimension_semantics = [#tpu.dimension_semantics<core_parallel>, #tpu.dimension_semantics<subcore_parallel>], iteration_bounds = array<i64: 2, 16>, scalar_prefetch = 0 : i64, scratch_operands = 5 : i64, tpu.core_type = #tpu.core_type<sc_vector_subcore>, window_params = [{transform_indices = #map}, {transform_indices = #map1}, {transform_indices = #map1}, {transform_indices = #map}, {transform_indices = #map2}]} {
    %mul3A = arith.constant 16 : i32
    %mul3A_0 = arith.muli %arg0, %mul3A : i32
    %add3A = arith.addi %mul3A_0, %arg1 : i32
    %mul3A_1 = arith.constant 632 : i32
    %mul3A_2 = arith.muli %arg1, %mul3A_1 : i32
    "tpu.region"() ({
      %run_scoped3A = tpu.sem_alloc : memref<!tpu.dma_semaphore, #tpu.memory_space<semaphore_mem>>
      %dma_start3A = arith.constant 0 : i32
      %dma_start3A_14 = tpu.memref_slice %arg10[%mul3A_2, %dma_start3A] : memref<10112x128xf32, #tpu.memory_space<vmem_shared>> -> memref<632x128xf32, #tpu.memory_space<vmem_shared>>
      tpu.enqueue_dma source(%arg5 : memref<632x128xf32, #tpu.memory_space<hbm>>) target(%dma_start3A_14 : memref<632x128xf32, #tpu.memory_space<vmem_shared>>) target_semaphore(%run_scoped3A : memref<!tpu.dma_semaphore, #tpu.memory_space<semaphore_mem>>)
      %dma_wait3A = arith.constant 0 : i32
      %dma_wait3A_15 = tpu.memref_slice %arg10[%mul3A_2, %dma_wait3A] : memref<10112x128xf32, #tpu.memory_space<vmem_shared>> -> memref<632x128xf32, #tpu.memory_space<vmem_shared>>
      tpu.wait_dma2 semaphore(%run_scoped3A : memref<!tpu.dma_semaphore, #tpu.memory_space<semaphore_mem>>) src(%arg5 : memref<632x128xf32, #tpu.memory_space<hbm>>) dst(%dma_wait3A_15 : memref<632x128xf32, #tpu.memory_space<vmem_shared>>)
      tpu.yield
    }) : () -> ()
    %barrier3A = arith.constant 0 : index
    tpu.barrier barrier_id(%barrier3A)
    %scan3A = arith.constant 0 : i32
    %scan3A_3 = arith.constant 0 : i32
    %scan3A_4 = arith.constant 80 : i32
    %scan3A_5 = arith.addi %scan3A_3, %scan3A_4 : i32
    %scan3A_6 = arith.constant 1 : i32
    %scan3A_7 = scf.for %scan3A_14 = %scan3A_3 to %scan3A_5 step %scan3A_6 iter_args(%scan3A_15 = %scan3A) -> (i32)  : i32 {
      %mul3A_16 = arith.constant 10240 : i32
      %mul3A_17 = arith.muli %add3A, %mul3A_16 : i32
      %mul3A_18 = arith.constant 128 : i32
      %mul3A_19 = arith.muli %scan3A_14, %mul3A_18 : i32
      %add3A_20 = arith.addi %mul3A_17, %mul3A_19 : i32
      %multiple_of3A = tpu.assume_multiple %add3A_20, 128 : i32
      "tpu.region"() ({
        %run_scoped3A = tpu.sem_alloc : memref<!tpu.dma_semaphore, #tpu.memory_space<semaphore_mem>>
        %dma_start3A_26 = tpu.memref_slice %arg3[%multiple_of3A] : memref<327680xi32, #tpu.memory_space<hbm>> -> memref<128xi32, #tpu.memory_space<hbm>>
        %dma_start3A_27 = tpu.memref_slice %arg3[%multiple_of3A] : memref<327680xi32, #tpu.memory_space<hbm>> -> memref<128xi32, #tpu.memory_space<hbm>>
        tpu.enqueue_dma source(%dma_start3A_27 : memref<128xi32, #tpu.memory_space<hbm>>) target(%arg7 : memref<128xi32, #tpu.memory_space<vmem>>) target_semaphore(%run_scoped3A : memref<!tpu.dma_semaphore, #tpu.memory_space<semaphore_mem>>)
        %dma_wait3A_28 = tpu.memref_slice %arg3[%multiple_of3A] : memref<327680xi32, #tpu.memory_space<hbm>> -> memref<128xi32, #tpu.memory_space<hbm>>
        %dma_wait3A_29 = tpu.memref_slice %arg3[%multiple_of3A] : memref<327680xi32, #tpu.memory_space<hbm>> -> memref<128xi32, #tpu.memory_space<hbm>>
        tpu.wait_dma2 semaphore(%run_scoped3A : memref<!tpu.dma_semaphore, #tpu.memory_space<semaphore_mem>>) src(%dma_wait3A_29 : memref<128xi32, #tpu.memory_space<hbm>>) dst(%arg7 : memref<128xi32, #tpu.memory_space<vmem>>)
        tpu.yield
      }) : () -> ()
      "tpu.region"() ({
        %run_scoped3A = tpu.sem_alloc : memref<!tpu.dma_semaphore, #tpu.memory_space<semaphore_mem>>
        %dma_start3A_26 = tpu.memref_slice %arg4[%multiple_of3A] : memref<327680xi32, #tpu.memory_space<hbm>> -> memref<128xi32, #tpu.memory_space<hbm>>
        %dma_start3A_27 = tpu.memref_slice %arg4[%multiple_of3A] : memref<327680xi32, #tpu.memory_space<hbm>> -> memref<128xi32, #tpu.memory_space<hbm>>
        tpu.enqueue_dma source(%dma_start3A_27 : memref<128xi32, #tpu.memory_space<hbm>>) target(%arg8 : memref<128xi32, #tpu.memory_space<vmem>>) target_semaphore(%run_scoped3A : memref<!tpu.dma_semaphore, #tpu.memory_space<semaphore_mem>>)
        %dma_wait3A_28 = tpu.memref_slice %arg4[%multiple_of3A] : memref<327680xi32, #tpu.memory_space<hbm>> -> memref<128xi32, #tpu.memory_space<hbm>>
        %dma_wait3A_29 = tpu.memref_slice %arg4[%multiple_of3A] : memref<327680xi32, #tpu.memory_space<hbm>> -> memref<128xi32, #tpu.memory_space<hbm>>
        tpu.wait_dma2 semaphore(%run_scoped3A : memref<!tpu.dma_semaphore, #tpu.memory_space<semaphore_mem>>) src(%dma_wait3A_29 : memref<128xi32, #tpu.memory_space<hbm>>) dst(%arg8 : memref<128xi32, #tpu.memory_space<vmem>>)
        tpu.yield
      }) : () -> ()
      %dma_start3A = arith.constant 0 : i32
      %dma_start3A_21 = arith.constant 0 : i32
      %dma_start3A_22 = tpu.memref_slice %arg2[%dma_start3A, %dma_start3A_21] : memref<10000x128xf32, #tpu.memory_space<hbm>> -> memref<10000x128xf32, #tpu.memory_space<hbm>>
      tpu.enqueue_indirect_dma source(%dma_start3A_22 : memref<10000x128xf32, #tpu.memory_space<hbm>>) target(%arg9 : memref<128x128xf32, #tpu.memory_space<vmem>>) offsets(%arg7 : memref<128xi32, #tpu.memory_space<vmem>>) semaphore(%arg11 : memref<!tpu.dma_semaphore, #tpu.memory_space<semaphore_mem>>)
      %dma_wait3A = arith.constant 0 : i32
      %dma_wait3A_23 = arith.constant 0 : i32
      %dma_wait3A_24 = tpu.memref_slice %arg2[%dma_wait3A, %dma_wait3A_23] : memref<10000x128xf32, #tpu.memory_space<hbm>> -> memref<10000x128xf32, #tpu.memory_space<hbm>>
      tpu.wait_indirect_dma semaphore(%arg11 : memref<!tpu.dma_semaphore, #tpu.memory_space<semaphore_mem>>) src(%dma_wait3A_24 : memref<10000x128xf32, #tpu.memory_space<hbm>>) dst(%arg9 : memref<128x128xf32, #tpu.memory_space<vmem>>)
      "tpu.region"() ({
        %run_scoped3A = tpu.sem_alloc : memref<!tpu.dma_semaphore, #tpu.memory_space<semaphore_mem>>
        %dma_start3A_26 = arith.constant 0 : i32
        %dma_start3A_27 = arith.constant 0 : i32
        %dma_start3A_28 = tpu.memref_slice %arg10[%dma_start3A_26, %dma_start3A_27] : memref<10112x128xf32, #tpu.memory_space<vmem_shared>> -> memref<10112x128xf32, #tpu.memory_space<vmem_shared>>
        tpu.enqueue_indirect_dma source(%arg9 : memref<128x128xf32, #tpu.memory_space<vmem>>) target(%dma_start3A_28 : memref<10112x128xf32, #tpu.memory_space<vmem_shared>>) offsets(%arg8 : memref<128xi32, #tpu.memory_space<vmem>>) semaphore(%run_scoped3A : memref<!tpu.dma_semaphore, #tpu.memory_space<semaphore_mem>>) {add = true}
        %dma_wait3A_29 = arith.constant 0 : i32
        %dma_wait3A_30 = arith.constant 0 : i32
        %dma_wait3A_31 = tpu.memref_slice %arg10[%dma_wait3A_29, %dma_wait3A_30] : memref<10112x128xf32, #tpu.memory_space<vmem_shared>> -> memref<10112x128xf32, #tpu.memory_space<vmem_shared>>
        tpu.wait_indirect_dma semaphore(%run_scoped3A : memref<!tpu.dma_semaphore, #tpu.memory_space<semaphore_mem>>) src(%arg9 : memref<128x128xf32, #tpu.memory_space<vmem>>) dst(%dma_wait3A_31 : memref<10112x128xf32, #tpu.memory_space<vmem_shared>>)
        tpu.yield
      }) : () -> ()
      %scan3A_25 = arith.constant 0 : i32
      scf.yield %scan3A_25 : i32
    }
    %scan3A_8 = arith.constant 80 : i32
    %barrier3A_9 = arith.constant 0 : index
    tpu.barrier barrier_id(%barrier3A_9)
    %mul3A_10 = arith.constant 632 : i32
    %mul3A_11 = arith.muli %arg1, %mul3A_10 : i32
    %mul3A_12 = arith.constant 632 : i32
    %mul3A_13 = arith.muli %arg1, %mul3A_12 : i32
    "tpu.region"() ({
      %run_scoped3A = tpu.sem_alloc : memref<!tpu.dma_semaphore, #tpu.memory_space<semaphore_mem>>
      %dma_start3A = arith.constant 0 : i32
      %dma_start3A_14 = tpu.memref_slice %arg6[%arg0, %mul3A_13, %dma_start3A] : memref<2x10112x128xf32, #tpu.memory_space<hbm>> -> memref<1x632x128xf32, #tpu.memory_space<hbm>>
      %dma_start3A_15 = tpu.memref_squeeze %dma_start3A_14 : memref<1x632x128xf32, #tpu.memory_space<hbm>> -> memref<632x128xf32, #tpu.memory_space<hbm>>
      %dma_start3A_16 = arith.constant 0 : i32
      %dma_start3A_17 = tpu.memref_slice %arg10[%mul3A_11, %dma_start3A_16] : memref<10112x128xf32, #tpu.memory_space<vmem_shared>> -> memref<632x128xf32, #tpu.memory_space<vmem_shared>>
      tpu.enqueue_dma source(%dma_start3A_17 : memref<632x128xf32, #tpu.memory_space<vmem_shared>>) target(%dma_start3A_15 : memref<632x128xf32, #tpu.memory_space<hbm>>) target_semaphore(%run_scoped3A : memref<!tpu.dma_semaphore, #tpu.memory_space<semaphore_mem>>)
      %dma_wait3A = arith.constant 0 : i32
      %dma_wait3A_18 = tpu.memref_slice %arg6[%arg0, %mul3A_13, %dma_wait3A] : memref<2x10112x128xf32, #tpu.memory_space<hbm>> -> memref<1x632x128xf32, #tpu.memory_space<hbm>>
      %dma_wait3A_19 = tpu.memref_squeeze %dma_wait3A_18 : memref<1x632x128xf32, #tpu.memory_space<hbm>> -> memref<632x128xf32, #tpu.memory_space<hbm>>
      %dma_wait3A_20 = arith.constant 0 : i32
      %dma_wait3A_21 = tpu.memref_slice %arg10[%mul3A_11, %dma_wait3A_20] : memref<10112x128xf32, #tpu.memory_space<vmem_shared>> -> memref<632x128xf32, #tpu.memory_space<vmem_shared>>
      tpu.wait_dma2 semaphore(%run_scoped3A : memref<!tpu.dma_semaphore, #tpu.memory_space<semaphore_mem>>) src(%dma_wait3A_21 : memref<632x128xf32, #tpu.memory_space<vmem_shared>>) dst(%dma_wait3A_19 : memref<632x128xf32, #tpu.memory_space<hbm>>)
      tpu.yield
    }) : () -> ()
    return
  }
}

#map = affine_map<(d0, d1) -> (0, 0)>
#map1 = affine_map<(d0, d1) -> (0)>
#map2 = affine_map<(d0, d1) -> (0, 0, 0)>
module attributes {stable_mosaic.version = 14 : i64} {
  func.func @_edge_agg_body(%arg0: i32, %arg1: i32, %arg2: memref<10000x128xf32, #tpu.memory_space<hbm>>, %arg3: memref<327680xi32, #tpu.memory_space<hbm>>, %arg4: memref<327680xi32, #tpu.memory_space<hbm>>, %arg5: memref<632x128xf32, #tpu.memory_space<hbm>>, %arg6: memref<2x10112x128xf32, #tpu.memory_space<hbm>>, %arg7: memref<128xi32, #tpu.memory_space<vmem>>, %arg8: memref<128xi32, #tpu.memory_space<vmem>>, %arg9: memref<128x128xf32, #tpu.memory_space<vmem>>, %arg10: memref<10112x128xf32, #tpu.memory_space<vmem_shared>>, %arg11: memref<!tpu.dma_semaphore, #tpu.memory_space<semaphore_mem>>) attributes {dimension_semantics = [#tpu.dimension_semantics<core_parallel>, #tpu.dimension_semantics<subcore_parallel>], iteration_bounds = array<i64: 2, 16>, scalar_prefetch = 0 : i64, scratch_operands = 5 : i64, tpu.core_type = #tpu.core_type<sc_vector_subcore>, window_params = [{transform_indices = #map}, {transform_indices = #map1}, {transform_indices = #map1}, {transform_indices = #map}, {transform_indices = #map2}]} {
    %mul3A = arith.constant 16 : i32
    %mul3A_0 = arith.muli %arg0, %mul3A : i32
    %add3A = arith.addi %mul3A_0, %arg1 : i32
    %mul3A_1 = arith.constant 632 : i32
    %mul3A_2 = arith.muli %arg1, %mul3A_1 : i32
    "tpu.region"() ({
      %run_scoped3A = tpu.sem_alloc : memref<!tpu.dma_semaphore, #tpu.memory_space<semaphore_mem>>
      %dma_start3A = arith.constant 0 : i32
      %dma_start3A_14 = tpu.memref_slice %arg10[%mul3A_2, %dma_start3A] : memref<10112x128xf32, #tpu.memory_space<vmem_shared>> -> memref<632x128xf32, #tpu.memory_space<vmem_shared>>
      tpu.enqueue_dma source(%arg5 : memref<632x128xf32, #tpu.memory_space<hbm>>) target(%dma_start3A_14 : memref<632x128xf32, #tpu.memory_space<vmem_shared>>) target_semaphore(%run_scoped3A : memref<!tpu.dma_semaphore, #tpu.memory_space<semaphore_mem>>)
      %dma_wait3A = arith.constant 0 : i32
      %dma_wait3A_15 = tpu.memref_slice %arg10[%mul3A_2, %dma_wait3A] : memref<10112x128xf32, #tpu.memory_space<vmem_shared>> -> memref<632x128xf32, #tpu.memory_space<vmem_shared>>
      tpu.wait_dma2 semaphore(%run_scoped3A : memref<!tpu.dma_semaphore, #tpu.memory_space<semaphore_mem>>) src(%arg5 : memref<632x128xf32, #tpu.memory_space<hbm>>) dst(%dma_wait3A_15 : memref<632x128xf32, #tpu.memory_space<vmem_shared>>)
      tpu.yield
    }) : () -> ()
    %barrier3A = arith.constant 0 : index
    tpu.barrier barrier_id(%barrier3A)
    %scan3A = arith.constant 0 : i32
    %scan3A_3 = arith.constant 0 : i32
    %scan3A_4 = arith.constant 80 : i32
    %scan3A_5 = arith.addi %scan3A_3, %scan3A_4 : i32
    %scan3A_6 = arith.constant 1 : i32
    %scan3A_7 = scf.for %scan3A_14 = %scan3A_3 to %scan3A_5 step %scan3A_6 iter_args(%scan3A_15 = %scan3A) -> (i32)  : i32 {
      %mul3A_16 = arith.constant 10240 : i32
      %mul3A_17 = arith.muli %add3A, %mul3A_16 : i32
      %mul3A_18 = arith.constant 128 : i32
      %mul3A_19 = arith.muli %scan3A_14, %mul3A_18 : i32
      %add3A_20 = arith.addi %mul3A_17, %mul3A_19 : i32
      %multiple_of3A = tpu.assume_multiple %add3A_20, 128 : i32
      "tpu.region"() ({
        %run_scoped3A = tpu.sem_alloc : memref<!tpu.dma_semaphore, #tpu.memory_space<semaphore_mem>>
        %dma_start3A_26 = tpu.memref_slice %arg3[%multiple_of3A] : memref<327680xi32, #tpu.memory_space<hbm>> -> memref<128xi32, #tpu.memory_space<hbm>>
        %dma_start3A_27 = tpu.memref_slice %arg3[%multiple_of3A] : memref<327680xi32, #tpu.memory_space<hbm>> -> memref<128xi32, #tpu.memory_space<hbm>>
        tpu.enqueue_dma source(%dma_start3A_27 : memref<128xi32, #tpu.memory_space<hbm>>) target(%arg7 : memref<128xi32, #tpu.memory_space<vmem>>) target_semaphore(%run_scoped3A : memref<!tpu.dma_semaphore, #tpu.memory_space<semaphore_mem>>)
        %dma_wait3A_28 = tpu.memref_slice %arg3[%multiple_of3A] : memref<327680xi32, #tpu.memory_space<hbm>> -> memref<128xi32, #tpu.memory_space<hbm>>
        %dma_wait3A_29 = tpu.memref_slice %arg3[%multiple_of3A] : memref<327680xi32, #tpu.memory_space<hbm>> -> memref<128xi32, #tpu.memory_space<hbm>>
        tpu.wait_dma2 semaphore(%run_scoped3A : memref<!tpu.dma_semaphore, #tpu.memory_space<semaphore_mem>>) src(%dma_wait3A_29 : memref<128xi32, #tpu.memory_space<hbm>>) dst(%arg7 : memref<128xi32, #tpu.memory_space<vmem>>)
        tpu.yield
      }) : () -> ()
      "tpu.region"() ({
        %run_scoped3A = tpu.sem_alloc : memref<!tpu.dma_semaphore, #tpu.memory_space<semaphore_mem>>
        %dma_start3A_26 = tpu.memref_slice %arg4[%multiple_of3A] : memref<327680xi32, #tpu.memory_space<hbm>> -> memref<128xi32, #tpu.memory_space<hbm>>
        %dma_start3A_27 = tpu.memref_slice %arg4[%multiple_of3A] : memref<327680xi32, #tpu.memory_space<hbm>> -> memref<128xi32, #tpu.memory_space<hbm>>
        tpu.enqueue_dma source(%dma_start3A_27 : memref<128xi32, #tpu.memory_space<hbm>>) target(%arg8 : memref<128xi32, #tpu.memory_space<vmem>>) target_semaphore(%run_scoped3A : memref<!tpu.dma_semaphore, #tpu.memory_space<semaphore_mem>>)
        %dma_wait3A_28 = tpu.memref_slice %arg4[%multiple_of3A] : memref<327680xi32, #tpu.memory_space<hbm>> -> memref<128xi32, #tpu.memory_space<hbm>>
        %dma_wait3A_29 = tpu.memref_slice %arg4[%multiple_of3A] : memref<327680xi32, #tpu.memory_space<hbm>> -> memref<128xi32, #tpu.memory_space<hbm>>
        tpu.wait_dma2 semaphore(%run_scoped3A : memref<!tpu.dma_semaphore, #tpu.memory_space<semaphore_mem>>) src(%dma_wait3A_29 : memref<128xi32, #tpu.memory_space<hbm>>) dst(%arg8 : memref<128xi32, #tpu.memory_space<vmem>>)
        tpu.yield
      }) : () -> ()
      %dma_start3A = arith.constant 0 : i32
      %dma_start3A_21 = arith.constant 0 : i32
      %dma_start3A_22 = tpu.memref_slice %arg2[%dma_start3A, %dma_start3A_21] : memref<10000x128xf32, #tpu.memory_space<hbm>> -> memref<10000x128xf32, #tpu.memory_space<hbm>>
      tpu.enqueue_indirect_dma source(%dma_start3A_22 : memref<10000x128xf32, #tpu.memory_space<hbm>>) target(%arg9 : memref<128x128xf32, #tpu.memory_space<vmem>>) offsets(%arg7 : memref<128xi32, #tpu.memory_space<vmem>>) semaphore(%arg11 : memref<!tpu.dma_semaphore, #tpu.memory_space<semaphore_mem>>)
      %dma_wait3A = arith.constant 0 : i32
      %dma_wait3A_23 = arith.constant 0 : i32
      %dma_wait3A_24 = tpu.memref_slice %arg2[%dma_wait3A, %dma_wait3A_23] : memref<10000x128xf32, #tpu.memory_space<hbm>> -> memref<10000x128xf32, #tpu.memory_space<hbm>>
      tpu.wait_indirect_dma semaphore(%arg11 : memref<!tpu.dma_semaphore, #tpu.memory_space<semaphore_mem>>) src(%dma_wait3A_24 : memref<10000x128xf32, #tpu.memory_space<hbm>>) dst(%arg9 : memref<128x128xf32, #tpu.memory_space<vmem>>)
      "tpu.region"() ({
        %run_scoped3A = tpu.sem_alloc : memref<!tpu.dma_semaphore, #tpu.memory_space<semaphore_mem>>
        %dma_start3A_26 = arith.constant 0 : i32
        %dma_start3A_27 = arith.constant 0 : i32
        %dma_start3A_28 = tpu.memref_slice %arg10[%dma_start3A_26, %dma_start3A_27] : memref<10112x128xf32, #tpu.memory_space<vmem_shared>> -> memref<10112x128xf32, #tpu.memory_space<vmem_shared>>
        tpu.enqueue_indirect_dma source(%arg9 : memref<128x128xf32, #tpu.memory_space<vmem>>) target(%dma_start3A_28 : memref<10112x128xf32, #tpu.memory_space<vmem_shared>>) offsets(%arg8 : memref<128xi32, #tpu.memory_space<vmem>>) semaphore(%run_scoped3A : memref<!tpu.dma_semaphore, #tpu.memory_space<semaphore_mem>>) {add = true}
        %dma_wait3A_29 = arith.constant 0 : i32
        %dma_wait3A_30 = arith.constant 0 : i32
        %dma_wait3A_31 = tpu.memref_slice %arg10[%dma_wait3A_29, %dma_wait3A_30] : memref<10112x128xf32, #tpu.memory_space<vmem_shared>> -> memref<10112x128xf32, #tpu.memory_space<vmem_shared>>
        tpu.wait_indirect_dma semaphore(%run_scoped3A : memref<!tpu.dma_semaphore, #tpu.memory_space<semaphore_mem>>) src(%arg9 : memref<128x128xf32, #tpu.memory_space<vmem>>) dst(%dma_wait3A_31 : memref<10112x128xf32, #tpu.memory_space<vmem_shared>>)
        tpu.yield
      }) : () -> ()
      %scan3A_25 = arith.constant 0 : i32
      scf.yield %scan3A_25 : i32
    }
    %scan3A_8 = arith.constant 80 : i32
    %barrier3A_9 = arith.constant 0 : index
    tpu.barrier barrier_id(%barrier3A_9)
    %mul3A_10 = arith.constant 632 : i32
    %mul3A_11 = arith.muli %arg1, %mul3A_10 : i32
    %mul3A_12 = arith.constant 632 : i32
    %mul3A_13 = arith.muli %arg1, %mul3A_12 : i32
    "tpu.region"() ({
      %run_scoped3A = tpu.sem_alloc : memref<!tpu.dma_semaphore, #tpu.memory_space<semaphore_mem>>
      %dma_start3A = arith.constant 0 : i32
      %dma_start3A_14 = tpu.memref_slice %arg6[%arg0, %mul3A_13, %dma_start3A] : memref<2x10112x128xf32, #tpu.memory_space<hbm>> -> memref<1x632x128xf32, #tpu.memory_space<hbm>>
      %dma_start3A_15 = tpu.memref_squeeze %dma_start3A_14 : memref<1x632x128xf32, #tpu.memory_space<hbm>> -> memref<632x128xf32, #tpu.memory_space<hbm>>
      %dma_start3A_16 = arith.constant 0 : i32
      %dma_start3A_17 = tpu.memref_slice %arg10[%mul3A_11, %dma_start3A_16] : memref<10112x128xf32, #tpu.memory_space<vmem_shared>> -> memref<632x128xf32, #tpu.memory_space<vmem_shared>>
      tpu.enqueue_dma source(%dma_start3A_17 : memref<632x128xf32, #tpu.memory_space<vmem_shared>>) target(%dma_start3A_15 : memref<632x128xf32, #tpu.memory_space<hbm>>) target_semaphore(%run_scoped3A : memref<!tpu.dma_semaphore, #tpu.memory_space<semaphore_mem>>)
      %dma_wait3A = arith.constant 0 : i32
      %dma_wait3A_18 = tpu.memref_slice %arg6[%arg0, %mul3A_13, %dma_wait3A] : memref<2x10112x128xf32, #tpu.memory_space<hbm>> -> memref<1x632x128xf32, #tpu.memory_space<hbm>>
      %dma_wait3A_19 = tpu.memref_squeeze %dma_wait3A_18 : memref<1x632x128xf32, #tpu.memory_space<hbm>> -> memref<632x128xf32, #tpu.memory_space<hbm>>
      %dma_wait3A_20 = arith.constant 0 : i32
      %dma_wait3A_21 = tpu.memref_slice %arg10[%mul3A_11, %dma_wait3A_20] : memref<10112x128xf32, #tpu.memory_space<vmem_shared>> -> memref<632x128xf32, #tpu.memory_space<vmem_shared>>
      tpu.wait_dma2 semaphore(%run_scoped3A : memref<!tpu.dma_semaphore, #tpu.memory_space<semaphore_mem>>) src(%dma_wait3A_21 : memref<632x128xf32, #tpu.memory_space<vmem_shared>>) dst(%dma_wait3A_19 : memref<632x128xf32, #tpu.memory_space<hbm>>)
      tpu.yield
    }) : () -> ()
    return
  }
}

module attributes {stable_mosaic.version = 14 : i64} {
  func.func @_pre_body(%arg0: i32, %arg1: memref<1000x256xf32, #tpu.memory_space<vmem>>, %arg2: memref<256x128xf32, #tpu.memory_space<vmem>>, %arg3: memref<1x128xf32, #tpu.memory_space<vmem>>, %arg4: memref<128x128xf32, #tpu.memory_space<vmem>>, %arg5: memref<1000x128xf32, #tpu.memory_space<vmem>>, %arg6: memref<1000x128xf32, #tpu.memory_space<vmem>>) attributes {dimension_semantics = [#tpu.dimension_semantics<arbitrary>], iteration_bounds = array<i64: 10>, scalar_prefetch = 0 : i64, scratch_operands = 0 : i64, tpu.core_type = #tpu.core_type<tc>, window_params = [{transform_indices = @transform_0, window_bounds = array<i64: 1000, 256>}, {pipeline_mode = #tpu.pipeline_mode<synchronous>, transform_indices = @transform_1, window_bounds = array<i64: 256, 128>}, {pipeline_mode = #tpu.pipeline_mode<synchronous>, transform_indices = @transform_2, window_bounds = array<i64: 1, 128>}, {pipeline_mode = #tpu.pipeline_mode<synchronous>, transform_indices = @transform_3, window_bounds = array<i64: 128, 128>}, {transform_indices = @transform_4, window_bounds = array<i64: 1000, 128>}, {transform_indices = @transform_5, window_bounds = array<i64: 1000, 128>}]} {
    %get3A = arith.constant 0 : index
    %get3A_0 = arith.constant 0 : index
    %get3A_1 = vector.load %arg1[%get3A, %get3A_0] : memref<1000x256xf32, #tpu.memory_space<vmem>>, vector<1000x256xf32>
    %get3A_2 = arith.constant 0 : index
    %get3A_3 = arith.constant 0 : index
    %get3A_4 = vector.load %arg2[%get3A_2, %get3A_3] : memref<256x128xf32, #tpu.memory_space<vmem>>, vector<256x128xf32>
    %dot_general3A = arith.constant dense<0.000000e+00> : vector<1000x128xf32>
    %dot_general3A_5 = tpu.matmul %get3A_1, %get3A_4, %dot_general3A {dimension_numbers = #tpu.dot_dimension_numbers<[1], [0], [0], [1], [0, 0, 1, 1], [], []>, transpose_lhs_hint = false} : vector<1000x256xf32>, vector<256x128xf32>, vector<1000x128xf32> -> vector<1000x128xf32>
    %get3A_6 = arith.constant 0 : index
    %get3A_7 = arith.constant 0 : index
    %get3A_8 = vector.load %arg3[%get3A_6, %get3A_7] : memref<1x128xf32, #tpu.memory_space<vmem>>, vector<1x128xf32>
    %add3A = vector.broadcast %get3A_8 : vector<1x128xf32> to vector<1000x128xf32>
    %add3A_9 = arith.addf %dot_general3A_5, %add3A : vector<1000x128xf32>
    %max3A = arith.constant 0.000000e+00 : f32
    %max3A_10 = vector.broadcast %max3A : f32 to vector<1000x128xf32>
    %max3A_11 = arith.maximumf %add3A_9, %max3A_10 : vector<1000x128xf32>
    %swap3A = arith.constant 0 : index
    %swap3A_12 = arith.constant 0 : index
    %swap3A_13 = vector.load %arg5[%swap3A, %swap3A_12] : memref<1000x128xf32, #tpu.memory_space<vmem>>, vector<1000x128xf32>
    tpu.vector_store %arg5[%swap3A, %swap3A_12], %max3A_11 {strides = array<i32>} : memref<1000x128xf32, #tpu.memory_space<vmem>>, vector<1000x128xf32>,
    %get3A_14 = arith.constant 0 : index
    %get3A_15 = arith.constant 0 : index
    %get3A_16 = vector.load %arg4[%get3A_14, %get3A_15] : memref<128x128xf32, #tpu.memory_space<vmem>>, vector<128x128xf32>
    %dot_general3A_17 = arith.constant dense<0.000000e+00> : vector<1000x128xf32>
    %dot_general3A_18 = tpu.matmul %max3A_11, %get3A_16, %dot_general3A_17 {dimension_numbers = #tpu.dot_dimension_numbers<[1], [0], [0], [1], [0, 0, 1, 1], [], []>, transpose_lhs_hint = false} : vector<1000x128xf32>, vector<128x128xf32>, vector<1000x128xf32> -> vector<1000x128xf32>
    %swap3A_19 = arith.constant 0 : index
    %swap3A_20 = arith.constant 0 : index
    %swap3A_21 = vector.load %arg6[%swap3A_19, %swap3A_20] : memref<1000x128xf32, #tpu.memory_space<vmem>>, vector<1000x128xf32>
    tpu.vector_store %arg6[%swap3A_19, %swap3A_20], %dot_general3A_18 {strides = array<i32>} : memref<1000x128xf32, #tpu.memory_space<vmem>>, vector<1000x128xf32>,
    return
  }
  func.func @transform_0(%arg0: i32) -> (i32, i32) {
    %c0_i32 = arith.constant 0 : i32
    %c0_i32_0 = arith.constant 0 : i32
    return %arg0, %c0_i32 : i32, i32
  }
  func.func @transform_1(%arg0: i32) -> (i32, i32) {
    %c0_i32 = arith.constant 0 : i32
    %c0_i32_0 = arith.constant 0 : i32
    %c0_i32_1 = arith.constant 0 : i32
    return %c0_i32, %c0_i32_0 : i32, i32
  }
  func.func @transform_2(%arg0: i32) -> (i32, i32) {
    %c0_i32 = arith.constant 0 : i32
    %c0_i32_0 = arith.constant 0 : i32
    %c0_i32_1 = arith.constant 0 : i32
    return %c0_i32, %c0_i32_0 : i32, i32
  }
  func.func @transform_3(%arg0: i32) -> (i32, i32) {
    %c0_i32 = arith.constant 0 : i32
    %c0_i32_0 = arith.constant 0 : i32
    %c0_i32_1 = arith.constant 0 : i32
    return %c0_i32, %c0_i32_0 : i32, i32
  }
  func.func @transform_4(%arg0: i32) -> (i32, i32) {
    %c0_i32 = arith.constant 0 : i32
    %c0_i32_0 = arith.constant 0 : i32
    return %arg0, %c0_i32 : i32, i32
  }
  func.func @transform_5(%arg0: i32) -> (i32, i32) {
    %c0_i32 = arith.constant 0 : i32
    %c0_i32_0 = arith.constant 0 : i32
    return %arg0, %c0_i32 : i32, i32
  }
}

module attributes {stable_mosaic.version = 14 : i64} {
  func.func @_gru_body(%arg0: i32, %arg1: memref<2x1000x128xf32, #tpu.memory_space<vmem>>, %arg2: memref<1000x128xf32, #tpu.memory_space<vmem>>, %arg3: memref<128x384xf32, #tpu.memory_space<vmem>>, %arg4: memref<128x384xf32, #tpu.memory_space<vmem>>, %arg5: memref<1x384xf32, #tpu.memory_space<vmem>>, %arg6: memref<1x384xf32, #tpu.memory_space<vmem>>, %arg7: memref<128x128xf32, #tpu.memory_space<vmem>>, %arg8: memref<1000x128xf32, #tpu.memory_space<vmem>>, %arg9: memref<1000x128xf32, #tpu.memory_space<vmem>>) attributes {dimension_semantics = [#tpu.dimension_semantics<arbitrary>], iteration_bounds = array<i64: 10>, scalar_prefetch = 0 : i64, scratch_operands = 0 : i64, tpu.core_type = #tpu.core_type<tc>, window_params = [{transform_indices = @transform_0, window_bounds = array<i64: 2, 1000, 128>}, {transform_indices = @transform_1, window_bounds = array<i64: 1000, 128>}, {pipeline_mode = #tpu.pipeline_mode<synchronous>, transform_indices = @transform_2, window_bounds = array<i64: 128, 384>}, {pipeline_mode = #tpu.pipeline_mode<synchronous>, transform_indices = @transform_3, window_bounds = array<i64: 128, 384>}, {pipeline_mode = #tpu.pipeline_mode<synchronous>, transform_indices = @transform_4, window_bounds = array<i64: 1, 384>}, {pipeline_mode = #tpu.pipeline_mode<synchronous>, transform_indices = @transform_5, window_bounds = array<i64: 1, 384>}, {pipeline_mode = #tpu.pipeline_mode<synchronous>, transform_indices = @transform_6, window_bounds = array<i64: 128, 128>}, {transform_indices = @transform_7, window_bounds = array<i64: 1000, 128>}, {transform_indices = @transform_8, window_bounds = array<i64: 1000, 128>}]} {
    %get3A = arith.constant 0 : index
    %get3A_0 = arith.constant 0 : index
    %get3A_1 = arith.constant 0 : index
    %get3A_2 = vector.load %arg1[%get3A, %get3A_0, %get3A_1] : memref<2x1000x128xf32, #tpu.memory_space<vmem>>, vector<1x1000x128xf32>
    %get3A_3 = vector.shape_cast %get3A_2 : vector<1x1000x128xf32> to vector<1000x128xf32>
    %get3A_4 = arith.constant 1 : index
    %get3A_5 = arith.constant 0 : index
    %get3A_6 = arith.constant 0 : index
    %get3A_7 = vector.load %arg1[%get3A_4, %get3A_5, %get3A_6] : memref<2x1000x128xf32, #tpu.memory_space<vmem>>, vector<1x1000x128xf32>
    %get3A_8 = vector.shape_cast %get3A_7 : vector<1x1000x128xf32> to vector<1000x128xf32>
    %add3A = arith.addf %get3A_3, %get3A_8 : vector<1000x128xf32>
    %get3A_9 = arith.constant 0 : index
    %get3A_10 = arith.constant 0 : index
    %get3A_11 = vector.load %arg2[%get3A_9, %get3A_10] : memref<1000x128xf32, #tpu.memory_space<vmem>>, vector<1000x128xf32>
    %get3A_12 = arith.constant 0 : index
    %get3A_13 = arith.constant 0 : index
    %get3A_14 = vector.load %arg3[%get3A_12, %get3A_13] : memref<128x384xf32, #tpu.memory_space<vmem>>, vector<128x384xf32>
    %dot_general3A = arith.constant dense<0.000000e+00> : vector<1000x384xf32>
    %dot_general3A_15 = tpu.matmul %add3A, %get3A_14, %dot_general3A {dimension_numbers = #tpu.dot_dimension_numbers<[1], [0], [0], [1], [0, 0, 1, 1], [], []>, transpose_lhs_hint = false} : vector<1000x128xf32>, vector<128x384xf32>, vector<1000x384xf32> -> vector<1000x384xf32>
    %get3A_16 = arith.constant 0 : index
    %get3A_17 = arith.constant 0 : index
    %get3A_18 = vector.load %arg5[%get3A_16, %get3A_17] : memref<1x384xf32, #tpu.memory_space<vmem>>, vector<1x384xf32>
    %add3A_19 = vector.broadcast %get3A_18 : vector<1x384xf32> to vector<1000x384xf32>
    %add3A_20 = arith.addf %dot_general3A_15, %add3A_19 : vector<1000x384xf32>
    %get3A_21 = arith.constant 0 : index
    %get3A_22 = arith.constant 0 : index
    %get3A_23 = vector.load %arg4[%get3A_21, %get3A_22] : memref<128x384xf32, #tpu.memory_space<vmem>>, vector<128x384xf32>
    %dot_general3A_24 = arith.constant dense<0.000000e+00> : vector<1000x384xf32>
    %dot_general3A_25 = tpu.matmul %get3A_11, %get3A_23, %dot_general3A_24 {dimension_numbers = #tpu.dot_dimension_numbers<[1], [0], [0], [1], [0, 0, 1, 1], [], []>, transpose_lhs_hint = false} : vector<1000x128xf32>, vector<128x384xf32>, vector<1000x384xf32> -> vector<1000x384xf32>
    %get3A_26 = arith.constant 0 : index
    %get3A_27 = arith.constant 0 : index
    %get3A_28 = vector.load %arg6[%get3A_26, %get3A_27] : memref<1x384xf32, #tpu.memory_space<vmem>>, vector<1x384xf32>
    %add3A_29 = vector.broadcast %get3A_28 : vector<1x384xf32> to vector<1000x384xf32>
    %add3A_30 = arith.addf %dot_general3A_25, %add3A_29 : vector<1000x384xf32>
    %slice3A = vector.extract_strided_slice %add3A_20 {offsets = [0, 0], sizes = [1000, 128], strides = [1, 1]} : vector<1000x384xf32> to vector<1000x128xf32>
    %slice3A_31 = vector.extract_strided_slice %add3A_30 {offsets = [0, 0], sizes = [1000, 128], strides = [1, 1]} : vector<1000x384xf32> to vector<1000x128xf32>
    %add3A_32 = arith.addf %slice3A, %slice3A_31 : vector<1000x128xf32>
    %logistic3A = arith.negf %add3A_32 : vector<1000x128xf32>
    %logistic3A_33 = math.exp %logistic3A : vector<1000x128xf32>
    %logistic3A_34 = arith.constant 1.000000e+00 : f32
    %logistic3A_35 = vector.broadcast %logistic3A_34 : f32 to vector<1000x128xf32>
    %logistic3A_36 = arith.addf %logistic3A_35, %logistic3A_33 : vector<1000x128xf32>
    %logistic3A_37 = arith.divf %logistic3A_35, %logistic3A_36 : vector<1000x128xf32>
    %slice3A_38 = vector.extract_strided_slice %add3A_20 {offsets = [0, 128], sizes = [1000, 128], strides = [1, 1]} : vector<1000x384xf32> to vector<1000x128xf32>
    %slice3A_39 = vector.extract_strided_slice %add3A_30 {offsets = [0, 128], sizes = [1000, 128], strides = [1, 1]} : vector<1000x384xf32> to vector<1000x128xf32>
    %add3A_40 = arith.addf %slice3A_38, %slice3A_39 : vector<1000x128xf32>
    %logistic3A_41 = arith.negf %add3A_40 : vector<1000x128xf32>
    %logistic3A_42 = math.exp %logistic3A_41 : vector<1000x128xf32>
    %logistic3A_43 = arith.constant 1.000000e+00 : f32
    %logistic3A_44 = vector.broadcast %logistic3A_43 : f32 to vector<1000x128xf32>
    %logistic3A_45 = arith.addf %logistic3A_44, %logistic3A_42 : vector<1000x128xf32>
    %logistic3A_46 = arith.divf %logistic3A_44, %logistic3A_45 : vector<1000x128xf32>
    %slice3A_47 = vector.extract_strided_slice %add3A_20 {offsets = [0, 256], sizes = [1000, 128], strides = [1, 1]} : vector<1000x384xf32> to vector<1000x128xf32>
    %slice3A_48 = vector.extract_strided_slice %add3A_30 {offsets = [0, 256], sizes = [1000, 128], strides = [1, 1]} : vector<1000x384xf32> to vector<1000x128xf32>
    %mul3A = arith.mulf %logistic3A_37, %slice3A_48 : vector<1000x128xf32>
    %add3A_49 = arith.addf %slice3A_47, %mul3A : vector<1000x128xf32>
    %tanh3A = math.tanh %add3A_49 : vector<1000x128xf32>
    %sub3A = arith.constant 1.000000e+00 : f32
    %sub3A_50 = vector.broadcast %sub3A : f32 to vector<1000x128xf32>
    %sub3A_51 = arith.subf %sub3A_50, %logistic3A_46 : vector<1000x128xf32>
    %mul3A_52 = arith.mulf %sub3A_51, %tanh3A : vector<1000x128xf32>
    %mul3A_53 = arith.mulf %logistic3A_46, %get3A_11 : vector<1000x128xf32>
    %add3A_54 = arith.addf %mul3A_52, %mul3A_53 : vector<1000x128xf32>
    %swap3A = arith.constant 0 : index
    %swap3A_55 = arith.constant 0 : index
    %swap3A_56 = vector.load %arg8[%swap3A, %swap3A_55] : memref<1000x128xf32, #tpu.memory_space<vmem>>, vector<1000x128xf32>
    tpu.vector_store %arg8[%swap3A, %swap3A_55], %add3A_54 {strides = array<i32>} : memref<1000x128xf32, #tpu.memory_space<vmem>>, vector<1000x128xf32>,
    %get3A_57 = arith.constant 0 : index
    %get3A_58 = arith.constant 0 : index
    %get3A_59 = vector.load %arg7[%get3A_57, %get3A_58] : memref<128x128xf32, #tpu.memory_space<vmem>>, vector<128x128xf32>
    %dot_general3A_60 = arith.constant dense<0.000000e+00> : vector<1000x128xf32>
    %dot_general3A_61 = tpu.matmul %add3A_54, %get3A_59, %dot_general3A_60 {dimension_numbers = #tpu.dot_dimension_numbers<[1], [0], [0], [1], [0, 0, 1, 1], [], []>, transpose_lhs_hint = false} : vector<1000x128xf32>, vector<128x128xf32>, vector<1000x128xf32> -> vector<1000x128xf32>
    %swap3A_62 = arith.constant 0 : index
    %swap3A_63 = arith.constant 0 : index
    %swap3A_64 = vector.load %arg9[%swap3A_62, %swap3A_63] : memref<1000x128xf32, #tpu.memory_space<vmem>>, vector<1000x128xf32>
    tpu.vector_store %arg9[%swap3A_62, %swap3A_63], %dot_general3A_61 {strides = array<i32>} : memref<1000x128xf32, #tpu.memory_space<vmem>>, vector<1000x128xf32>,
    return
  }
  func.func @transform_0(%arg0: i32) -> (i32, i32, i32) {
    %c0_i32 = arith.constant 0 : i32
    %c0_i32_0 = arith.constant 0 : i32
    %c0_i32_1 = arith.constant 0 : i32
    return %c0_i32, %arg0, %c0_i32_0 : i32, i32, i32
  }
  func.func @transform_1(%arg0: i32) -> (i32, i32) {
    %c0_i32 = arith.constant 0 : i32
    %c0_i32_0 = arith.constant 0 : i32
    return %arg0, %c0_i32 : i32, i32
  }
  func.func @transform_2(%arg0: i32) -> (i32, i32) {
    %c0_i32 = arith.constant 0 : i32
    %c0_i32_0 = arith.constant 0 : i32
    %c0_i32_1 = arith.constant 0 : i32
    return %c0_i32, %c0_i32_0 : i32, i32
  }
  func.func @transform_3(%arg0: i32) -> (i32, i32) {
    %c0_i32 = arith.constant 0 : i32
    %c0_i32_0 = arith.constant 0 : i32
    %c0_i32_1 = arith.constant 0 : i32
    return %c0_i32, %c0_i32_0 : i32, i32
  }
  func.func @transform_4(%arg0: i32) -> (i32, i32) {
    %c0_i32 = arith.constant 0 : i32
    %c0_i32_0 = arith.constant 0 : i32
    %c0_i32_1 = arith.constant 0 : i32
    return %c0_i32, %c0_i32_0 : i32, i32
  }
  func.func @transform_5(%arg0: i32) -> (i32, i32) {
    %c0_i32 = arith.constant 0 : i32
    %c0_i32_0 = arith.constant 0 : i32
    %c0_i32_1 = arith.constant 0 : i32
    return %c0_i32, %c0_i32_0 : i32, i32
  }
  func.func @transform_6(%arg0: i32) -> (i32, i32) {
    %c0_i32 = arith.constant 0 : i32
    %c0_i32_0 = arith.constant 0 : i32
    %c0_i32_1 = arith.constant 0 : i32
    return %c0_i32, %c0_i32_0 : i32, i32
  }
  func.func @transform_7(%arg0: i32) -> (i32, i32) {
    %c0_i32 = arith.constant 0 : i32
    %c0_i32_0 = arith.constant 0 : i32
    return %arg0, %c0_i32 : i32, i32
  }
  func.func @transform_8(%arg0: i32) -> (i32, i32) {
    %c0_i32 = arith.constant 0 : i32
    %c0_i32_0 = arith.constant 0 : i32
    return %arg0, %c0_i32 : i32, i32
  }
}

module attributes {stable_mosaic.version = 14 : i64} {
  func.func @_gru_body(%arg0: i32, %arg1: memref<2x1000x128xf32, #tpu.memory_space<vmem>>, %arg2: memref<1000x128xf32, #tpu.memory_space<vmem>>, %arg3: memref<128x384xf32, #tpu.memory_space<vmem>>, %arg4: memref<128x384xf32, #tpu.memory_space<vmem>>, %arg5: memref<1x384xf32, #tpu.memory_space<vmem>>, %arg6: memref<1x384xf32, #tpu.memory_space<vmem>>, %arg7: memref<128x128xf32, #tpu.memory_space<vmem>>, %arg8: memref<1000x128xf32, #tpu.memory_space<vmem>>, %arg9: memref<1000x128xf32, #tpu.memory_space<vmem>>) attributes {dimension_semantics = [#tpu.dimension_semantics<arbitrary>], iteration_bounds = array<i64: 10>, scalar_prefetch = 0 : i64, scratch_operands = 0 : i64, tpu.core_type = #tpu.core_type<tc>, window_params = [{transform_indices = @transform_0, window_bounds = array<i64: 2, 1000, 128>}, {transform_indices = @transform_1, window_bounds = array<i64: 1000, 128>}, {pipeline_mode = #tpu.pipeline_mode<synchronous>, transform_indices = @transform_2, window_bounds = array<i64: 128, 384>}, {pipeline_mode = #tpu.pipeline_mode<synchronous>, transform_indices = @transform_3, window_bounds = array<i64: 128, 384>}, {pipeline_mode = #tpu.pipeline_mode<synchronous>, transform_indices = @transform_4, window_bounds = array<i64: 1, 384>}, {pipeline_mode = #tpu.pipeline_mode<synchronous>, transform_indices = @transform_5, window_bounds = array<i64: 1, 384>}, {pipeline_mode = #tpu.pipeline_mode<synchronous>, transform_indices = @transform_6, window_bounds = array<i64: 128, 128>}, {transform_indices = @transform_7, window_bounds = array<i64: 1000, 128>}, {transform_indices = @transform_8, window_bounds = array<i64: 1000, 128>}]} {
    %get3A = arith.constant 0 : index
    %get3A_0 = arith.constant 0 : index
    %get3A_1 = arith.constant 0 : index
    %get3A_2 = vector.load %arg1[%get3A, %get3A_0, %get3A_1] : memref<2x1000x128xf32, #tpu.memory_space<vmem>>, vector<1x1000x128xf32>
    %get3A_3 = vector.shape_cast %get3A_2 : vector<1x1000x128xf32> to vector<1000x128xf32>
    %get3A_4 = arith.constant 1 : index
    %get3A_5 = arith.constant 0 : index
    %get3A_6 = arith.constant 0 : index
    %get3A_7 = vector.load %arg1[%get3A_4, %get3A_5, %get3A_6] : memref<2x1000x128xf32, #tpu.memory_space<vmem>>, vector<1x1000x128xf32>
    %get3A_8 = vector.shape_cast %get3A_7 : vector<1x1000x128xf32> to vector<1000x128xf32>
    %add3A = arith.addf %get3A_3, %get3A_8 : vector<1000x128xf32>
    %get3A_9 = arith.constant 0 : index
    %get3A_10 = arith.constant 0 : index
    %get3A_11 = vector.load %arg2[%get3A_9, %get3A_10] : memref<1000x128xf32, #tpu.memory_space<vmem>>, vector<1000x128xf32>
    %get3A_12 = arith.constant 0 : index
    %get3A_13 = arith.constant 0 : index
    %get3A_14 = vector.load %arg3[%get3A_12, %get3A_13] : memref<128x384xf32, #tpu.memory_space<vmem>>, vector<128x384xf32>
    %dot_general3A = arith.constant dense<0.000000e+00> : vector<1000x384xf32>
    %dot_general3A_15 = tpu.matmul %add3A, %get3A_14, %dot_general3A {dimension_numbers = #tpu.dot_dimension_numbers<[1], [0], [0], [1], [0, 0, 1, 1], [], []>, transpose_lhs_hint = false} : vector<1000x128xf32>, vector<128x384xf32>, vector<1000x384xf32> -> vector<1000x384xf32>
    %get3A_16 = arith.constant 0 : index
    %get3A_17 = arith.constant 0 : index
    %get3A_18 = vector.load %arg5[%get3A_16, %get3A_17] : memref<1x384xf32, #tpu.memory_space<vmem>>, vector<1x384xf32>
    %add3A_19 = vector.broadcast %get3A_18 : vector<1x384xf32> to vector<1000x384xf32>
    %add3A_20 = arith.addf %dot_general3A_15, %add3A_19 : vector<1000x384xf32>
    %get3A_21 = arith.constant 0 : index
    %get3A_22 = arith.constant 0 : index
    %get3A_23 = vector.load %arg4[%get3A_21, %get3A_22] : memref<128x384xf32, #tpu.memory_space<vmem>>, vector<128x384xf32>
    %dot_general3A_24 = arith.constant dense<0.000000e+00> : vector<1000x384xf32>
    %dot_general3A_25 = tpu.matmul %get3A_11, %get3A_23, %dot_general3A_24 {dimension_numbers = #tpu.dot_dimension_numbers<[1], [0], [0], [1], [0, 0, 1, 1], [], []>, transpose_lhs_hint = false} : vector<1000x128xf32>, vector<128x384xf32>, vector<1000x384xf32> -> vector<1000x384xf32>
    %get3A_26 = arith.constant 0 : index
    %get3A_27 = arith.constant 0 : index
    %get3A_28 = vector.load %arg6[%get3A_26, %get3A_27] : memref<1x384xf32, #tpu.memory_space<vmem>>, vector<1x384xf32>
    %add3A_29 = vector.broadcast %get3A_28 : vector<1x384xf32> to vector<1000x384xf32>
    %add3A_30 = arith.addf %dot_general3A_25, %add3A_29 : vector<1000x384xf32>
    %slice3A = vector.extract_strided_slice %add3A_20 {offsets = [0, 0], sizes = [1000, 128], strides = [1, 1]} : vector<1000x384xf32> to vector<1000x128xf32>
    %slice3A_31 = vector.extract_strided_slice %add3A_30 {offsets = [0, 0], sizes = [1000, 128], strides = [1, 1]} : vector<1000x384xf32> to vector<1000x128xf32>
    %add3A_32 = arith.addf %slice3A, %slice3A_31 : vector<1000x128xf32>
    %logistic3A = arith.negf %add3A_32 : vector<1000x128xf32>
    %logistic3A_33 = math.exp %logistic3A : vector<1000x128xf32>
    %logistic3A_34 = arith.constant 1.000000e+00 : f32
    %logistic3A_35 = vector.broadcast %logistic3A_34 : f32 to vector<1000x128xf32>
    %logistic3A_36 = arith.addf %logistic3A_35, %logistic3A_33 : vector<1000x128xf32>
    %logistic3A_37 = arith.divf %logistic3A_35, %logistic3A_36 : vector<1000x128xf32>
    %slice3A_38 = vector.extract_strided_slice %add3A_20 {offsets = [0, 128], sizes = [1000, 128], strides = [1, 1]} : vector<1000x384xf32> to vector<1000x128xf32>
    %slice3A_39 = vector.extract_strided_slice %add3A_30 {offsets = [0, 128], sizes = [1000, 128], strides = [1, 1]} : vector<1000x384xf32> to vector<1000x128xf32>
    %add3A_40 = arith.addf %slice3A_38, %slice3A_39 : vector<1000x128xf32>
    %logistic3A_41 = arith.negf %add3A_40 : vector<1000x128xf32>
    %logistic3A_42 = math.exp %logistic3A_41 : vector<1000x128xf32>
    %logistic3A_43 = arith.constant 1.000000e+00 : f32
    %logistic3A_44 = vector.broadcast %logistic3A_43 : f32 to vector<1000x128xf32>
    %logistic3A_45 = arith.addf %logistic3A_44, %logistic3A_42 : vector<1000x128xf32>
    %logistic3A_46 = arith.divf %logistic3A_44, %logistic3A_45 : vector<1000x128xf32>
    %slice3A_47 = vector.extract_strided_slice %add3A_20 {offsets = [0, 256], sizes = [1000, 128], strides = [1, 1]} : vector<1000x384xf32> to vector<1000x128xf32>
    %slice3A_48 = vector.extract_strided_slice %add3A_30 {offsets = [0, 256], sizes = [1000, 128], strides = [1, 1]} : vector<1000x384xf32> to vector<1000x128xf32>
    %mul3A = arith.mulf %logistic3A_37, %slice3A_48 : vector<1000x128xf32>
    %add3A_49 = arith.addf %slice3A_47, %mul3A : vector<1000x128xf32>
    %tanh3A = math.tanh %add3A_49 : vector<1000x128xf32>
    %sub3A = arith.constant 1.000000e+00 : f32
    %sub3A_50 = vector.broadcast %sub3A : f32 to vector<1000x128xf32>
    %sub3A_51 = arith.subf %sub3A_50, %logistic3A_46 : vector<1000x128xf32>
    %mul3A_52 = arith.mulf %sub3A_51, %tanh3A : vector<1000x128xf32>
    %mul3A_53 = arith.mulf %logistic3A_46, %get3A_11 : vector<1000x128xf32>
    %add3A_54 = arith.addf %mul3A_52, %mul3A_53 : vector<1000x128xf32>
    %swap3A = arith.constant 0 : index
    %swap3A_55 = arith.constant 0 : index
    %swap3A_56 = vector.load %arg8[%swap3A, %swap3A_55] : memref<1000x128xf32, #tpu.memory_space<vmem>>, vector<1000x128xf32>
    tpu.vector_store %arg8[%swap3A, %swap3A_55], %add3A_54 {strides = array<i32>} : memref<1000x128xf32, #tpu.memory_space<vmem>>, vector<1000x128xf32>,
    %swap3A_57 = arith.constant 0 : index
    %swap3A_58 = arith.constant 0 : index
    %swap3A_59 = vector.load %arg9[%swap3A_57, %swap3A_58] : memref<1000x128xf32, #tpu.memory_space<vmem>>, vector<1000x128xf32>
    tpu.vector_store %arg9[%swap3A_57, %swap3A_58], %add3A_54 {strides = array<i32>} : memref<1000x128xf32, #tpu.memory_space<vmem>>, vector<1000x128xf32>,
    return
  }
  func.func @transform_0(%arg0: i32) -> (i32, i32, i32) {
    %c0_i32 = arith.constant 0 : i32
    %c0_i32_0 = arith.constant 0 : i32
    %c0_i32_1 = arith.constant 0 : i32
    return %c0_i32, %arg0, %c0_i32_0 : i32, i32, i32
  }
  func.func @transform_1(%arg0: i32) -> (i32, i32) {
    %c0_i32 = arith.constant 0 : i32
    %c0_i32_0 = arith.constant 0 : i32
    return %arg0, %c0_i32 : i32, i32
  }
  func.func @transform_2(%arg0: i32) -> (i32, i32) {
    %c0_i32 = arith.constant 0 : i32
    %c0_i32_0 = arith.constant 0 : i32
    %c0_i32_1 = arith.constant 0 : i32
    return %c0_i32, %c0_i32_0 : i32, i32
  }
  func.func @transform_3(%arg0: i32) -> (i32, i32) {
    %c0_i32 = arith.constant 0 : i32
    %c0_i32_0 = arith.constant 0 : i32
    %c0_i32_1 = arith.constant 0 : i32
    return %c0_i32, %c0_i32_0 : i32, i32
  }
  func.func @transform_4(%arg0: i32) -> (i32, i32) {
    %c0_i32 = arith.constant 0 : i32
    %c0_i32_0 = arith.constant 0 : i32
    %c0_i32_1 = arith.constant 0 : i32
    return %c0_i32, %c0_i32_0 : i32, i32
  }
  func.func @transform_5(%arg0: i32) -> (i32, i32) {
    %c0_i32 = arith.constant 0 : i32
    %c0_i32_0 = arith.constant 0 : i32
    %c0_i32_1 = arith.constant 0 : i32
    return %c0_i32, %c0_i32_0 : i32, i32
  }
  func.func @transform_6(%arg0: i32) -> (i32, i32) {
    %c0_i32 = arith.constant 0 : i32
    %c0_i32_0 = arith.constant 0 : i32
    %c0_i32_1 = arith.constant 0 : i32
    return %c0_i32, %c0_i32_0 : i32, i32
  }
  func.func @transform_7(%arg0: i32) -> (i32, i32) {
    %c0_i32 = arith.constant 0 : i32
    %c0_i32_0 = arith.constant 0 : i32
    return %arg0, %c0_i32 : i32, i32
  }
  func.func @transform_8(%arg0: i32) -> (i32, i32) {
    %c0_i32 = arith.constant 0 : i32
    %c0_i32_0 = arith.constant 0 : i32
    return %arg0, %c0_i32 : i32, i32
  }
}

module attributes {stable_mosaic.version = 14 : i64} {
  func.func @_pool_body(%arg0: i32, %arg1: memref<1000x128xf32, #tpu.memory_space<vmem>>, %arg2: memref<1000x128xf32, #tpu.memory_space<vmem>>, %arg3: memref<1x1x1000xi32, #tpu.memory_space<vmem>>, %arg4: memref<128x256xf32, #tpu.memory_space<vmem>>, %arg5: memref<128x256xf32, #tpu.memory_space<vmem>>, %arg6: memref<1x256xf32, #tpu.memory_space<vmem>>, %arg7: memref<256x128xf32, #tpu.memory_space<vmem>>, %arg8: memref<1x128xf32, #tpu.memory_space<vmem>>, %arg9: memref<128x128xf32, #tpu.memory_space<vmem>>, %arg10: memref<1x128xf32, #tpu.memory_space<vmem>>, %arg11: memref<64x128xf32, #tpu.memory_space<vmem>>, %arg12: memref<64x128xf32, #tpu.memory_space<vmem>>, %arg13: memref<64x128xf32, #tpu.memory_space<vmem>>, %arg14: memref<1x64xf32, #tpu.memory_space<vmem>>) attributes {dimension_semantics = [#tpu.dimension_semantics<arbitrary>], iteration_bounds = array<i64: 10>, scalar_prefetch = 0 : i64, scratch_operands = 3 : i64, tpu.core_type = #tpu.core_type<tc>, window_params = [{transform_indices = @transform_0, window_bounds = array<i64: 1000, 128>}, {transform_indices = @transform_1, window_bounds = array<i64: 1000, 128>}, {transform_indices = @transform_2, window_bounds = array<i64: 1, 1, 1000>}, {pipeline_mode = #tpu.pipeline_mode<synchronous>, transform_indices = @transform_3, window_bounds = array<i64: 128, 256>}, {pipeline_mode = #tpu.pipeline_mode<synchronous>, transform_indices = @transform_4, window_bounds = array<i64: 128, 256>}, {pipeline_mode = #tpu.pipeline_mode<synchronous>, transform_indices = @transform_5, window_bounds = array<i64: 1, 256>}, {pipeline_mode = #tpu.pipeline_mode<synchronous>, transform_indices = @transform_6, window_bounds = array<i64: 256, 128>}, {pipeline_mode = #tpu.pipeline_mode<synchronous>, transform_indices = @transform_7, window_bounds = array<i64: 1, 128>}, {pipeline_mode = #tpu.pipeline_mode<synchronous>, transform_indices = @transform_8, window_bounds = array<i64: 128, 128>}, {pipeline_mode = #tpu.pipeline_mode<synchronous>, transform_indices = @transform_9, window_bounds = array<i64: 1, 128>}, {pipeline_mode = #tpu.pipeline_mode<synchronous>, transform_indices = @transform_10, window_bounds = array<i64: 64, 128>}]} {
    %eq3A = arith.constant 0 : i32
    %eq3A_0 = arith.cmpi eq, %arg0, %eq3A : i32
    %convert_element_type3A = arith.extui %eq3A_0 : i1 to i32
    %cond3A = arith.constant 0 : i32
    %cond3A_1 = arith.cmpi ne, %convert_element_type3A, %cond3A : i32
    scf.if %cond3A_1 {
      %broadcast_in_dim3A_45 = arith.constant 0.000000e+00 : f32
      %broadcast_in_dim3A_46 = vector.broadcast %broadcast_in_dim3A_45 : f32 to vector<64x128xf32>
      %swap3A_47 = arith.constant 0 : index
      %swap3A_48 = arith.constant 0 : index
      %swap3A_49 = vector.load %arg12[%swap3A_47, %swap3A_48] : memref<64x128xf32, #tpu.memory_space<vmem>>, vector<64x128xf32>
      tpu.vector_store %arg12[%swap3A_47, %swap3A_48], %broadcast_in_dim3A_46 {strides = array<i32>} : memref<64x128xf32, #tpu.memory_space<vmem>>, vector<64x128xf32>,
      %broadcast_in_dim3A_50 = arith.constant 0.000000e+00 : f32
      %broadcast_in_dim3A_51 = vector.broadcast %broadcast_in_dim3A_50 : f32 to vector<64x128xf32>
      %swap3A_52 = arith.constant 0 : index
      %swap3A_53 = arith.constant 0 : index
      %swap3A_54 = vector.load %arg13[%swap3A_52, %swap3A_53] : memref<64x128xf32, #tpu.memory_space<vmem>>, vector<64x128xf32>
      tpu.vector_store %arg13[%swap3A_52, %swap3A_53], %broadcast_in_dim3A_51 {strides = array<i32>} : memref<64x128xf32, #tpu.memory_space<vmem>>, vector<64x128xf32>,
      %broadcast_in_dim3A_55 = arith.constant 0.000000e+00 : f32
      %broadcast_in_dim3A_56 = vector.broadcast %broadcast_in_dim3A_55 : f32 to vector<1x64xf32>
      %swap3A_57 = arith.constant 0 : index
      %swap3A_58 = arith.constant 0 : index
      %swap3A_59 = vector.load %arg14[%swap3A_57, %swap3A_58] : memref<1x64xf32, #tpu.memory_space<vmem>>, vector<1x64xf32>
      tpu.vector_store %arg14[%swap3A_57, %swap3A_58], %broadcast_in_dim3A_56 {strides = array<i32>} : memref<1x64xf32, #tpu.memory_space<vmem>>, vector<1x64xf32>,
    } else {
    }
    %get3A = arith.constant 0 : index
    %get3A_2 = arith.constant 0 : index
    %get3A_3 = arith.constant 0 : index
    %get3A_4 = vector.load %arg3[%get3A, %get3A_2, %get3A_3] : memref<1x1x1000xi32, #tpu.memory_space<vmem>>, vector<1x1x1000xi32>
    %get3A_5 = vector.shape_cast %get3A_4 : vector<1x1x1000xi32> to vector<1000xi32>
    %iota3A = tpu.iota {dimensions = array<i32: 1>} : vector<1000x64xi32>
    %broadcast_in_dim3A = vector.shape_cast %get3A_5 : vector<1000xi32> to vector<1000x1xi32>
    %eq3A_6 = vector.broadcast %broadcast_in_dim3A : vector<1000x1xi32> to vector<1000x64xi32>
    %eq3A_7 = arith.cmpi eq, %eq3A_6, %iota3A : vector<1000x64xi32>
    %convert_element_type3A_8 = arith.extui %eq3A_7 : vector<1000x64xi1> to vector<1000x64xi32>
    %convert_element_type3A_9 = arith.sitofp %convert_element_type3A_8 : vector<1000x64xi32> to vector<1000x64xf32>
    %get3A_10 = arith.constant 0 : index
    %get3A_11 = arith.constant 0 : index
    %get3A_12 = vector.load %arg12[%get3A_10, %get3A_11] : memref<64x128xf32, #tpu.memory_space<vmem>>, vector<64x128xf32>
    %get3A_13 = arith.constant 0 : index
    %get3A_14 = arith.constant 0 : index
    %get3A_15 = vector.load %arg1[%get3A_13, %get3A_14] : memref<1000x128xf32, #tpu.memory_space<vmem>>, vector<1000x128xf32>
    %dot_general3A = arith.constant dense<0.000000e+00> : vector<64x128xf32>
    %dot_general3A_16 = tpu.matmul %convert_element_type3A_9, %get3A_15, %dot_general3A {dimension_numbers = #tpu.dot_dimension_numbers<[0], [0], [1], [1], [0, 1, 1, 1], [], []>, transpose_lhs_hint = false} : vector<1000x64xf32>, vector<1000x128xf32>, vector<64x128xf32> -> vector<64x128xf32>
    %add3A = arith.addf %get3A_12, %dot_general3A_16 : vector<64x128xf32>
    %swap3A = arith.constant 0 : index
    %swap3A_17 = arith.constant 0 : index
    %swap3A_18 = vector.load %arg12[%swap3A, %swap3A_17] : memref<64x128xf32, #tpu.memory_space<vmem>>, vector<64x128xf32>
    tpu.vector_store %arg12[%swap3A, %swap3A_17], %add3A {strides = array<i32>} : memref<64x128xf32, #tpu.memory_space<vmem>>, vector<64x128xf32>,
    %get3A_19 = arith.constant 0 : index
    %get3A_20 = arith.constant 0 : index
    %get3A_21 = vector.load %arg13[%get3A_19, %get3A_20] : memref<64x128xf32, #tpu.memory_space<vmem>>, vector<64x128xf32>
    %get3A_22 = arith.constant 0 : index
    %get3A_23 = arith.constant 0 : index
    %get3A_24 = vector.load %arg2[%get3A_22, %get3A_23] : memref<1000x128xf32, #tpu.memory_space<vmem>>, vector<1000x128xf32>
    %dot_general3A_25 = arith.constant dense<0.000000e+00> : vector<64x128xf32>
    %dot_general3A_26 = tpu.matmul %convert_element_type3A_9, %get3A_24, %dot_general3A_25 {dimension_numbers = #tpu.dot_dimension_numbers<[0], [0], [1], [1], [0, 1, 1, 1], [], []>, transpose_lhs_hint = false} : vector<1000x64xf32>, vector<1000x128xf32>, vector<64x128xf32> -> vector<64x128xf32>
    %add3A_27 = arith.addf %get3A_21, %dot_general3A_26 : vector<64x128xf32>
    %swap3A_28 = arith.constant 0 : index
    %swap3A_29 = arith.constant 0 : index
    %swap3A_30 = vector.load %arg13[%swap3A_28, %swap3A_29] : memref<64x128xf32, #tpu.memory_space<vmem>>, vector<64x128xf32>
    tpu.vector_store %arg13[%swap3A_28, %swap3A_29], %add3A_27 {strides = array<i32>} : memref<64x128xf32, #tpu.memory_space<vmem>>, vector<64x128xf32>,
    %get3A_31 = arith.constant 0 : index
    %get3A_32 = arith.constant 0 : index
    %get3A_33 = vector.load %arg14[%get3A_31, %get3A_32] : memref<1x64xf32, #tpu.memory_space<vmem>>, vector<1x64xf32>
    %reduce_sum3A = arith.constant dense<0.000000e+00> : vector<64xf32>
    %reduce_sum3A_34 = vector.multi_reduction <add>, %convert_element_type3A_9, %reduce_sum3A [0] : vector<1000x64xf32> to vector<64xf32>
    %broadcast_in_dim3A_35 = vector.shape_cast %reduce_sum3A_34 : vector<64xf32> to vector<1x64xf32>
    %add3A_36 = arith.addf %get3A_33, %broadcast_in_dim3A_35 : vector<1x64xf32>
    %swap3A_37 = arith.constant 0 : index
    %swap3A_38 = arith.constant 0 : index
    %swap3A_39 = vector.load %arg14[%swap3A_37, %swap3A_38] : memref<1x64xf32, #tpu.memory_space<vmem>>, vector<1x64xf32>
    tpu.vector_store %arg14[%swap3A_37, %swap3A_38], %add3A_36 {strides = array<i32>} : memref<1x64xf32, #tpu.memory_space<vmem>>, vector<1x64xf32>,
    %eq3A_40 = arith.constant 9 : i32
    %eq3A_41 = arith.cmpi eq, %arg0, %eq3A_40 : i32
    %convert_element_type3A_42 = arith.extui %eq3A_41 : i1 to i32
    %cond3A_43 = arith.constant 0 : i32
    %cond3A_44 = arith.cmpi ne, %convert_element_type3A_42, %cond3A_43 : i32
    scf.if %cond3A_44 {
      %get3A_45 = arith.constant 0 : index
      %get3A_46 = arith.constant 0 : index
      %get3A_47 = vector.load %arg14[%get3A_45, %get3A_46] : memref<1x64xf32, #tpu.memory_space<vmem>>, vector<1x64xf32>
      %get3A_48 = vector.shape_cast %get3A_47 : vector<1x64xf32> to vector<64xf32>
      %max3A = arith.constant 1.000000e+00 : f32
      %max3A_49 = vector.broadcast %max3A : f32 to vector<64xf32>
      %max3A_50 = arith.maximumf %get3A_48, %max3A_49 : vector<64xf32>
      %div3A = arith.constant 1.000000e+00 : f32
      %div3A_51 = vector.broadcast %div3A : f32 to vector<64xf32>
      %div3A_52 = arith.divf %div3A_51, %max3A_50 : vector<64xf32>
      %get3A_53 = arith.constant 0 : index
      %get3A_54 = arith.constant 0 : index
      %get3A_55 = vector.load %arg12[%get3A_53, %get3A_54] : memref<64x128xf32, #tpu.memory_space<vmem>>, vector<64x128xf32>
      %broadcast_in_dim3A_56 = vector.shape_cast %div3A_52 : vector<64xf32> to vector<64x1xf32>
      %mul3A = vector.broadcast %broadcast_in_dim3A_56 : vector<64x1xf32> to vector<64x128xf32>
      %mul3A_57 = arith.mulf %get3A_55, %mul3A : vector<64x128xf32>
      %get3A_58 = arith.constant 0 : index
      %get3A_59 = arith.constant 0 : index
      %get3A_60 = vector.load %arg13[%get3A_58, %get3A_59] : memref<64x128xf32, #tpu.memory_space<vmem>>, vector<64x128xf32>
      %broadcast_in_dim3A_61 = vector.shape_cast %div3A_52 : vector<64xf32> to vector<64x1xf32>
      %mul3A_62 = vector.broadcast %broadcast_in_dim3A_61 : vector<64x1xf32> to vector<64x128xf32>
      %mul3A_63 = arith.mulf %get3A_60, %mul3A_62 : vector<64x128xf32>
      %get3A_64 = arith.constant 0 : index
      %get3A_65 = arith.constant 0 : index
      %get3A_66 = vector.load %arg4[%get3A_64, %get3A_65] : memref<128x256xf32, #tpu.memory_space<vmem>>, vector<128x256xf32>
      %dot_general3A_67 = arith.constant dense<0.000000e+00> : vector<64x256xf32>
      %dot_general3A_68 = tpu.matmul %mul3A_57, %get3A_66, %dot_general3A_67 {dimension_numbers = #tpu.dot_dimension_numbers<[1], [0], [0], [1], [0, 0, 1, 1], [], []>, transpose_lhs_hint = false} : vector<64x128xf32>, vector<128x256xf32>, vector<64x256xf32> -> vector<64x256xf32>
      %get3A_69 = arith.constant 0 : index
      %get3A_70 = arith.constant 0 : index
      %get3A_71 = vector.load %arg5[%get3A_69, %get3A_70] : memref<128x256xf32, #tpu.memory_space<vmem>>, vector<128x256xf32>
      %dot_general3A_72 = arith.constant dense<0.000000e+00> : vector<64x256xf32>
      %dot_general3A_73 = tpu.matmul %mul3A_63, %get3A_71, %dot_general3A_72 {dimension_numbers = #tpu.dot_dimension_numbers<[1], [0], [0], [1], [0, 0, 1, 1], [], []>, transpose_lhs_hint = false} : vector<64x128xf32>, vector<128x256xf32>, vector<64x256xf32> -> vector<64x256xf32>
      %add3A_74 = arith.addf %dot_general3A_68, %dot_general3A_73 : vector<64x256xf32>
      %get3A_75 = arith.constant 0 : index
      %get3A_76 = arith.constant 0 : index
      %get3A_77 = vector.load %arg6[%get3A_75, %get3A_76] : memref<1x256xf32, #tpu.memory_space<vmem>>, vector<1x256xf32>
      %add3A_78 = vector.broadcast %get3A_77 : vector<1x256xf32> to vector<64x256xf32>
      %add3A_79 = arith.addf %add3A_74, %add3A_78 : vector<64x256xf32>
      %max3A_80 = arith.constant 0.000000e+00 : f32
      %max3A_81 = vector.broadcast %max3A_80 : f32 to vector<64x256xf32>
      %max3A_82 = arith.maximumf %add3A_79, %max3A_81 : vector<64x256xf32>
      %get3A_83 = arith.constant 0 : index
      %get3A_84 = arith.constant 0 : index
      %get3A_85 = vector.load %arg7[%get3A_83, %get3A_84] : memref<256x128xf32, #tpu.memory_space<vmem>>, vector<256x128xf32>
      %dot_general3A_86 = arith.constant dense<0.000000e+00> : vector<64x128xf32>
      %dot_general3A_87 = tpu.matmul %max3A_82, %get3A_85, %dot_general3A_86 {dimension_numbers = #tpu.dot_dimension_numbers<[1], [0], [0], [1], [0, 0, 1, 1], [], []>, transpose_lhs_hint = false} : vector<64x256xf32>, vector<256x128xf32>, vector<64x128xf32> -> vector<64x128xf32>
      %get3A_88 = arith.constant 0 : index
      %get3A_89 = arith.constant 0 : index
      %get3A_90 = vector.load %arg8[%get3A_88, %get3A_89] : memref<1x128xf32, #tpu.memory_space<vmem>>, vector<1x128xf32>
      %add3A_91 = vector.broadcast %get3A_90 : vector<1x128xf32> to vector<64x128xf32>
      %add3A_92 = arith.addf %dot_general3A_87, %add3A_91 : vector<64x128xf32>
      %max3A_93 = arith.constant 0.000000e+00 : f32
      %max3A_94 = vector.broadcast %max3A_93 : f32 to vector<64x128xf32>
      %max3A_95 = arith.maximumf %add3A_92, %max3A_94 : vector<64x128xf32>
      %get3A_96 = arith.constant 0 : index
      %get3A_97 = arith.constant 0 : index
      %get3A_98 = vector.load %arg9[%get3A_96, %get3A_97] : memref<128x128xf32, #tpu.memory_space<vmem>>, vector<128x128xf32>
      %dot_general3A_99 = arith.constant dense<0.000000e+00> : vector<64x128xf32>
      %dot_general3A_100 = tpu.matmul %max3A_95, %get3A_98, %dot_general3A_99 {dimension_numbers = #tpu.dot_dimension_numbers<[1], [0], [0], [1], [0, 0, 1, 1], [], []>, transpose_lhs_hint = false} : vector<64x128xf32>, vector<128x128xf32>, vector<64x128xf32> -> vector<64x128xf32>
      %get3A_101 = arith.constant 0 : index
      %get3A_102 = arith.constant 0 : index
      %get3A_103 = vector.load %arg10[%get3A_101, %get3A_102] : memref<1x128xf32, #tpu.memory_space<vmem>>, vector<1x128xf32>
      %add3A_104 = vector.broadcast %get3A_103 : vector<1x128xf32> to vector<64x128xf32>
      %add3A_105 = arith.addf %dot_general3A_100, %add3A_104 : vector<64x128xf32>
      %logistic3A = arith.negf %add3A_105 : vector<64x128xf32>
      %logistic3A_106 = math.exp %logistic3A : vector<64x128xf32>
      %logistic3A_107 = arith.constant 1.000000e+00 : f32
      %logistic3A_108 = vector.broadcast %logistic3A_107 : f32 to vector<64x128xf32>
      %logistic3A_109 = arith.addf %logistic3A_108, %logistic3A_106 : vector<64x128xf32>
      %logistic3A_110 = arith.divf %logistic3A_108, %logistic3A_109 : vector<64x128xf32>
      %swap3A_111 = arith.constant 0 : index
      %swap3A_112 = arith.constant 0 : index
      %swap3A_113 = vector.load %arg11[%swap3A_111, %swap3A_112] : memref<64x128xf32, #tpu.memory_space<vmem>>, vector<64x128xf32>
      tpu.vector_store %arg11[%swap3A_111, %swap3A_112], %logistic3A_110 {strides = array<i32>} : memref<64x128xf32, #tpu.memory_space<vmem>>, vector<64x128xf32>,
    } else {
    }
    return
  }
  func.func @transform_0(%arg0: i32) -> (i32, i32) {
    %c0_i32 = arith.constant 0 : i32
    %c0_i32_0 = arith.constant 0 : i32
    return %arg0, %c0_i32 : i32, i32
  }
  func.func @transform_1(%arg0: i32) -> (i32, i32) {
    %c0_i32 = arith.constant 0 : i32
    %c0_i32_0 = arith.constant 0 : i32
    return %arg0, %c0_i32 : i32, i32
  }
  func.func @transform_2(%arg0: i32) -> (i32, i32, i32) {
    %c0_i32 = arith.constant 0 : i32
    %c0_i32_0 = arith.constant 0 : i32
    %c0_i32_1 = arith.constant 0 : i32
    return %arg0, %c0_i32, %c0_i32_0 : i32, i32, i32
  }
  func.func @transform_3(%arg0: i32) -> (i32, i32) {
    %c0_i32 = arith.constant 0 : i32
    %c0_i32_0 = arith.constant 0 : i32
    %c0_i32_1 = arith.constant 0 : i32
    return %c0_i32, %c0_i32_0 : i32, i32
  }
  func.func @transform_4(%arg0: i32) -> (i32, i32) {
    %c0_i32 = arith.constant 0 : i32
    %c0_i32_0 = arith.constant 0 : i32
    %c0_i32_1 = arith.constant 0 : i32
    return %c0_i32, %c0_i32_0 : i32, i32
  }
  func.func @transform_5(%arg0: i32) -> (i32, i32) {
    %c0_i32 = arith.constant 0 : i32
    %c0_i32_0 = arith.constant 0 : i32
    %c0_i32_1 = arith.constant 0 : i32
    return %c0_i32, %c0_i32_0 : i32, i32
  }
  func.func @transform_6(%arg0: i32) -> (i32, i32) {
    %c0_i32 = arith.constant 0 : i32
    %c0_i32_0 = arith.constant 0 : i32
    %c0_i32_1 = arith.constant 0 : i32
    return %c0_i32, %c0_i32_0 : i32, i32
  }
  func.func @transform_7(%arg0: i32) -> (i32, i32) {
    %c0_i32 = arith.constant 0 : i32
    %c0_i32_0 = arith.constant 0 : i32
    %c0_i32_1 = arith.constant 0 : i32
    return %c0_i32, %c0_i32_0 : i32, i32
  }
  func.func @transform_8(%arg0: i32) -> (i32, i32) {
    %c0_i32 = arith.constant 0 : i32
    %c0_i32_0 = arith.constant 0 : i32
    %c0_i32_1 = arith.constant 0 : i32
    return %c0_i32, %c0_i32_0 : i32, i32
  }
  func.func @transform_9(%arg0: i32) -> (i32, i32) {
    %c0_i32 = arith.constant 0 : i32
    %c0_i32_0 = arith.constant 0 : i32
    %c0_i32_1 = arith.constant 0 : i32
    return %c0_i32, %c0_i32_0 : i32, i32
  }
  func.func @transform_10(%arg0: i32) -> (i32, i32) {
    %c0_i32 = arith.constant 0 : i32
    %c0_i32_0 = arith.constant 0 : i32
    %c0_i32_1 = arith.constant 0 : i32
    return %c0_i32, %c0_i32_0 : i32, i32
  }
}

</mosaic_0001>

<sc_bundles>
// kernel: kernel.10.cloned.1.call-start
scs
__scs_entry_jumppad:
0x0: {  	(pc) =	sbr.rel $0x88, $3  }
0x1: {  	(tag) =	ssettag $0x0;
	lr =	simm.s32 $0x1  }
0x2: {  	[smem:$0x3F91] =	sst lr;
	_ =	strace $0xD0000000  }
0x3: {  	_ = 	snop  }
0x4: {  	_ = 	snop  }
0x5: {  	_ = 	snop  }
0x6: {  	_ = 	snop  }
0x7: {  	_ = 	snop  }
__scs_overlays_trampoline_lowered:
0x8: {  	[smem:$0x3FA0] =	sst s0  }
0x9: {  	[smem:$0x3FA1] =	sst s1  }
0xa: {  	[smem:$0x3FA2] =	sst s2  }
0xb: {  	[smem:$0x3FA3] =	sst s3  }
0xc: {  	[smem:$0x3FA4] =	sst s4  }
0xd: {  	[smem:$0x3FA5] =	sst s5  }
0xe: {  	[smem:$0x3FA6] =	sst s6  }
0xf: {  	[smem:$0x3FA7] =	sst s7  }
0x10: {  	[smem:$0x3FA8] =	sst s8  }
0x11: {  	[smem:$0x3FA9] =	sst s9;
	s0 =	simm.s32 @!p0 $0x0  }
0x12: {  	s1 =	sld [smem:$0x3F8F];
	s0 =	simm.s32 @p0 $0x1  }
0x13: {  	[smem:$0x3FAA] =	sst s0;
	s0 =	simm.s32 @!p1 $0x0  }
0x14: {  	s2 =	sld [smem:$0x3F8E];
	s0 =	simm.s32 @p1 $0x1  }
0x15: {  	[smem:$0x3FAB] =	sst s0;
	s0 =	simm.s32 @!p2 $0x0  }
0x16: {  	s3 =	sld [smem:$0x3FDB];
	s0 =	simm.s32 @p2 $0x1  }
0x17: {  	s4 =	simm.s32 $0x1BF5;
	[smem:$0x3FAD] =	sst s0  }
0x18: {  	s0 =	sld [smem:$0x3F90];
	_ =	swait.ge [sflag:s4], $0x0  }
0x19: {  	s7 =	sld [smem:$0x3F91]  }
0x1a: {  	s8 =	sadd.s32 $0xFFFFE003, lr  }
0x1b: {  	s9 =	sadd.s32 $0xFFFFFEF7, lr;
	s5 =	simm.s32 $0xFFFFFFFF;
	p2 =	slt.u32 s8, $0xFFFFF086  }
0x1c: {  	p1 =	slt.u32 s9, $0xF7A;
	s5 =	simm.s32 @!p2 $0x0  }
0x1d: {  	s5 =	simm.s32 @p1 $0x1;
	p0 =	seq.s32 s7, s2  }
0x1e: {  	s7 =	smul.u32 @!p0 $0xF7A, s2;
	p2 =	seq.s32 @!p0 s5, $0x0  }
0x1f: {  	s9 =	smul.u32 $0xF7A, s1;
	s8 =	simm.s32 @!p0 $0x1BF5;
	p2 =	por !p2, p0  }
0x20: {  	[sflag:s8] =	ssyncset.s32 @!p0 $0xFFFFF086;
	s6 =	sadd.s32 @!p0 s3, s7;
	s7 =	simm.s32 @!p0 $0x108  }
0x21: {  	s3 =	sadd.s32 s3, s9;
	s6 =	sadd.s32 @!p0 $0x88, s6;
	s7 =	simm.s32 @p2 $0x1082  }
0x22: {  	[simem:s7], [sflag:s8] =	dma.local @!p0 [hbm:s6], $0xF7A  }
0x23: {  	s9 =	sor.u32 $0xD0000000, s2;
	s6 =	simm.s32 $0x108;
	_ =	swait.ge @!p0 [sflag:s8], $0x0  }
0x24: {  	s3 =	sadd.s32 $0x88, s3;
	s6 =	simm.s32 @!p1 $0x1082;
	[sflag:s4] =	ssyncset.s32 $0xFFFFF086  }
0x25: {  	[simem:s6], [sflag:s4] =	dma.local [hbm:s3], $0xF7A  }
0x26: {  	[smem:$0x3F91] =	sst s1;
	(tag) =	ssettag s2;
	_ =	strace s9  }
0x27: {  	s1 =	sld [smem:$0x3FA1]  }
0x28: {  	s2 =	sld [smem:$0x3FA2]  }
0x29: {  	s4 =	sld [smem:$0x3FA4]  }
0x2a: {  	p0 =	seq.s32 s5, $0x0;
	s5 =	sld [smem:$0x3FA5]  }
0x2b: {  	s6 =	sld [smem:$0x3FA6]  }
0x2c: {  	s7 =	sld [smem:$0x3FA7]  }
0x2d: {  	s3 =	simm.s32 $0x108;
	s8 =	sld [smem:$0x3FA8]  }
0x2e: {  	s3 =	simm.s32 @!p0 $0x1082;
	s9 =	sld [smem:$0x3FA9]  }
0x2f: {  	lr =	sadd.s32 s0, s3;
	s0 =	sld [smem:$0x3FA0]  }
0x30: {  	s3 =	sld [smem:$0x3FA3]  }
0x31: {  	[smem:$0x3FAC] =	sst s10  }
0x32: {  	s10 =	sld [smem:$0x3FAA];
	_ =	sdelay $0x3  }
0x33: {  	p0 =	seq.s32 s10, $0x1;
	s10 =	sld [smem:$0x3FAC];
	_ =	sdelay $0x3  }
0x34: {  	[smem:$0x3FAC] =	sst s10  }
0x35: {  	s10 =	sld [smem:$0x3FAB];
	_ =	sdelay $0x3  }
0x36: {  	p1 =	seq.s32 s10, $0x1;
	s10 =	sld [smem:$0x3FAC];
	_ =	sdelay $0x3  }
0x37: {  	[smem:$0x3FAC] =	sst s10  }
0x38: {  	s10 =	sld [smem:$0x3FAD]  }
0x39: {  	_ = 	snop;
	(pc) =	sbr.ind lr, $3  }
0x3a: {  	_ = 	snop  }
0x3b: {  	_ = 	snop  }
0x3c: {  	p2 =	seq.s32 s10, $0x1;
	s10 =	sld [smem:$0x3FAC]  }
0x3d: {  	_ =	shalt  }
0x3e: {  	_ =	shalt  }
0x3f: {  	_ =	shalt  }
0x40: {  	_ =	shalt  }
0x41: {  	_ =	shalt  }
0x42: {  	_ =	shalt  }
0x43: {  	_ =	shalt  }
0x44: {  	_ =	shalt  }
0x45: {  	_ =	shalt  }
0x46: {  	_ =	shalt  }
0x47: {  	_ =	shalt  }
0x48: {  	_ =	shalt  }
0x49: {  	_ =	shalt  }
0x4a: {  	_ =	shalt  }
0x4b: {  	_ =	shalt  }
0x4c: {  	_ =	shalt  }
0x4d: {  	_ =	shalt  }
0x4e: {  	_ =	shalt  }
0x4f: {  	_ =	shalt  }
0x50: {  	_ =	shalt  }
0x51: {  	_ =	shalt  }
0x52: {  	_ =	shalt  }
0x53: {  	_ =	shalt  }
0x54: {  	_ =	shalt  }
0x55: {  	_ =	shalt  }
0x56: {  	_ =	shalt  }
0x57: {  	_ =	shalt  }
0x58: {  	_ =	shalt  }
0x59: {  	_ =	shalt  }
0x5a: {  	_ =	shalt  }
0x5b: {  	_ =	shalt  }
0x5c: {  	_ =	shalt  }
0x5d: {  	_ =	shalt  }
0x5e: {  	_ =	shalt  }
0x5f: {  	_ =	shalt  }
0x60: {  	_ =	shalt  }
0x61: {  	_ =	shalt  }
0x62: {  	_ =	shalt  }
0x63: {  	_ =	shalt  }
0x64: {  	_ =	shalt  }
0x65: {  	_ =	shalt  }
0x66: {  	_ =	shalt  }
0x67: {  	_ =	shalt  }
0x68: {  	_ =	shalt  }
0x69: {  	_ =	shalt  }
0x6a: {  	_ =	shalt  }
0x6b: {  	_ =	shalt  }
0x6c: {  	_ =	shalt  }
0x6d: {  	_ =	shalt  }
0x6e: {  	_ =	shalt  }
0x6f: {  	_ =	shalt  }
0x70: {  	_ =	shalt  }
0x71: {  	_ =	shalt  }
0x72: {  	_ =	shalt  }
0x73: {  	_ =	shalt  }
0x74: {  	_ =	shalt  }
0x75: {  	_ =	shalt  }
0x76: {  	_ =	shalt  }
0x77: {  	_ =	shalt  }
0x78: {  	_ =	shalt  }
0x79: {  	_ =	shalt  }
0x7a: {  	_ =	shalt  }
0x7b: {  	_ =	shalt  }
0x7c: {  	_ =	shalt  }
0x7d: {  	_ =	shalt  }
0x7e: {  	_ =	shalt  }
0x7f: {  	_ =	shalt  }
0x80: {  	_ =	shalt  }
0x81: {  	_ =	shalt  }
0x82: {  	_ =	shalt  }
0x83: {  	_ =	shalt  }
0x84: {  	_ =	shalt  }
0x85: {  	_ =	shalt  }
0x86: {  	_ =	shalt  }
0x87: {  	_ =	shalt  }
.Lfunc_end0:
.L_simem_size_0:
called_computation_lowered:
.L_overlay_start_0:
0x88: {  	s2 =	sld [smem:$0x3FD9]  }
0x89: {  	s3 =	sld [smem:$0x3FFE];
	_ =	sdelay $0x1  }
0x8a: {  	s1 =	srdreg.scid  }
0x8b: {  	s0 =	sand.u32 $0x1, s1  }
0x8c: {  	s16 =	sshll.u32 s0, $0xA;
	s2 =	sadd.s32 s3, s2  }
0x8d: {  	s2 =	sadd.s32 s2, s16  }
0x8e: {  	[smem:$0x3FB8] =	sst s2  }
0x8f: {  	_ = 	snop  }
0x90: {  	(tm) =	ssettm $0x1  }
0x91: {  	s17 =	sld [smem:$0x3FFB];
	_ =	sdelay $0x3  }
0x92: {  	_ =	strace s17  }
0x93: {  	s2 =	sld [smem:$0x3FFC];
	_ =	sdelay $0x3  }
0x94: {  	_ =	strace s2  }
0x95: {  	s2 =	sld [smem:$0x3FFD];
	_ =	sdelay $0x3  }
0x96: {  	_ =	strace s2  }
0x97: {  	_ =	strace $0x8FFFFFFF  }
0x98: {  	s18 =	sld [smem:$0x3FDB];
	_ =	sdelay $0x1  }
0x99: {  	s19 =	simm.s32 $_scs_section_size  }
0x9a: {  	s4 =	simm.s32 $_size__tile_overlayer_lowered;
	s5 =	simm.s32 $_tile_overlayer_lowered  }
0x9b: {  	s22 =	simm.s32 $0x1BFF;
	s21 =	sshll.u32 s5, $0x1;
	s2 =	sadd.s32 s19, s18  }
0x9c: {  	s6 =	simm.s32 $0x0;
	s20 =	sshll.u32 s4, $0x1;
	s4 =	sadd.s32 s21, s2  }
0x9d: {  	[timem:s6], [sflag:s22] =	dma.local [hbm:s4], s20  }
0x9e: {  	_ =	swait.ge [sflag:s22], s20  }
0x9f: {  	s3 =	ssub.s32 $0x0, s20;
	[sflag:s22] =	ssyncset.done $0x0  }
0xa0: {  	[sflag:s22] =	ssyncadd.s32 s3;
	_ =	sdelay $0x1  }
0xa1: {  	s23 =	simm.s32 $0x1B8B  }
0xa2: {  	_ =	swait.ge [sflag:s23], $0x1  }
0xa3: {  	[sflag:s23] =	ssyncset.done $0x0  }
0xa4: {  	s25 =	simm.s32 $0x1B8E;
	s24 =	sld [smem:$0x3FFE];
	[sflag:s23] =	ssyncadd.s32 $0xFFFFFFFF  }
0xa5: {  	s26 =	simm.s32 $execute0_lowered;
	[smem:$0x3FD2] =	sst s25  }
0xa6: {  	s4 =	sshll.u32 s26, $0x1;
	_ =	strace $0x80000046;
	[dreg:$0x1] =	wrdreg $0xFFFFFFFF  }
0xa7: {  	s28 =	simm.s32 $_size_execute0_lowered;
	s2 =	sadd.s32 s2, s4;
	[dreg:$0x0] =	wrdreg $0x0  }
0xa8: {  	s4 =	sshll.u32 s28, $0x1;
	[dreg:$0x2] =	wrdreg s2  }
0xa9: {  	[dreg:$0x3] =	wrdreg s4  }
0xaa: {  	[dreg:$0x4] =	wrdreg $0xC0  }
0xab: {  	_ =	task [dreg:s6], $0x5FFFF  }
0xac: {  	[dreg:$0x1] =	wrdreg $0xFFFFFFFF  }
0xad: {  	[dreg:$0x0] =	wrdreg $0x60  }
0xae: {  	[dreg:$0x2] =	wrdreg s24  }
0xaf: {  	[dreg:$0x3] =	wrdreg $0x41000  }
0xb0: {  	[dreg:$0x4] =	wrdreg $0x9  }
0xb1: {  	_ =	task.clear_ibuf [dreg:s6], $0x5FFFF;
	_ =	strace $0x90000046  }
0xb2: {  	s29 =	simm.s32 $0x9;
	_ =	strace $0x80000048  }
0xb3: {  	_ =	swait.ge [sflag:s29], $0x1  }
0xb4: {  	[sflag:s29] =	ssyncadd.s32 $0xFFFFFFFF  }
0xb5: {  	_ =	strace $0x90000048  }
0xb6: {  	_ =	sfence  }
0xb7: {  	s30 =	sld [smem:$0x0];
	_ =	sdelay $0x2  }
0xb8: {  	s31 =	sshll.u32 s1, $0xD;
	s1 =	sshrl.u32 s1, $0x2  }
0xb9: {  	s3 =	sand.u32 $0x4000, s31;
	s1 =	sadd.s32 s1, s30  }
0xba: {  	s0 =	sor.u32 s3, s0;
	s1 =	sshll.u32 s1, $0x11  }
0xbb: {  	s0 =	sor.u32 s1, s0  }
0xbc: {  	s0 =	sadd.s32 $0x8F2B, s0  }
0xbd: {  	[sflag:s0] =	ssyncadd.remote.s32 $0x1  }
0xbe: {  	_ =	sfence.sel $0xFFFF  }
0xbf: {  	[dreg:$0x0] =	wrdreg $0xFFFFFFFF;
	(pc) =	sbr.abs _section_cstart, $3  }
0xc0: {  	[dreg:$0x1] =	wrdreg $0xFFFFFFFF  }
0xc1: {  	_ =	task.clear_ibuf [dreg:s6], $0x2FFFF;
	_ =	strace $0x9FFFFFFF  }
0xc2: {  	(tm) =	ssettm $0x7FFFFFFF  }
0xc3: {  	_ =	shalt  }
tec
execute0_lowered:
.L_overlay_start_1:
0x0: {  	(tag) =	ssettag $0x1  }
0x1: {  	s6 =	rddreg [dreg:$0x0];
	s0 =	srdreg.scid  }
0x2: {  	s2 =	rddreg [dreg:$0x1];
	s1 =	stileid.u32;
	s3 =	simm.s32 $0x0  }
0x3: {  	s14 =	simm.s32 $0x100;
	s15 =	simm.s32 $0x1;
	s8 =	smul.u32 $0x13C00, s1  }
0x4: {  	s7 =	sand.u32 $0x1, s0;
	s0 =	rddreg [dreg:$0x2];
	s10 =	smul.u32 $0x4F000, s1  }
0x5: {  	s16 =	simm.s32 $0x0;
	[smem:$0x7FF] =	sst s3;
	s11 =	smul.u32 $0x500, s1  }
0x6: {  	s4 =	sadd.s32 $0x17000, s6;
	s30 =	sshll.u32 s1, $0x6;
	s5 =	smul.u32 $0x13C000, s7  }
0x7: {  	s9 =	smul.u32 $0x5000, s7;
	_ =	strace $0x80000047;
	s29 =	ssub.s32 $0x2, s7  }
0x8: {  	s7 =	sshrl.u32 s29, $0x1;
	s10 =	sshrl.u32 s10, $0x2;
	s5 =	sadd.s32 s8, s5  }
0x9: {  	s26 =	sadd.s32 s9, s6;
	s12 =	ssub.s32 s29, s7;
	s13 =	sadd.s32 s10, s2  }
0xa: {  	s28 =	sshrl.u32 s5, $0x3;
	s5 =	sadd.s32 $0x3E200, s6;
	s31 =	sadd.s32 s11, s26  }
0xb: {  	s8 =	smax.u32 s12, $0x1;
	s11 =	sshrl.u32 s13, $0x3;
	s12 =	simm.s32 $0x2  }
0xc: {  	s13 =	simm.s32 $0x80;
	s9 =	sadd.s32 s28, s6;
	s6 =	sor.u32 $0x1C02, s30  }
0xd: {  	s10 =	sadd.s32 $0xD000, s31;
	s7 =	sadd.s32 $0x40A00, s9;
	s9 =	sadd.s32 $0x3000, s31  }
.LBB2_1:
0xe: {  	[spmem:s11], [sflag:s6] =	dma.local [hbm:s5], $0x2780  }
0xf: {  	_ =	swait.ge [sflag:s12], $0x2780  }
0x10: {  	[sflag:s12] =	ssyncset.done $0x0  }
0x11: {  	[sflag:s12] =	ssyncadd.s32 $0xFFFFD880  }
0x12: {  	s17 =	sadd.s32 $0x0, s10;
	[bflag:$0x0] =	sbarrier.arrive $0xFFFF  }
0x13: {  	[tilespmem:s3], [sflag:$0x2] =	stream.linear.gather [hbm4b:s17+s3], $0x80, $0x38;
	[tilespmem:$0x17D00] =	vst v63  }
0x14: {  	_ =	swait.ge [sflag:s12], $0x80  }
0x15: {  	[sflag:s12] =	ssyncset.done $0x0  }
0x16: {  	s31 =	sadd.s32 $0x0, s9;
	[sflag:s12] =	ssyncadd.s32 $0xFFFFFF80  }
0x17: {  	[tilespmem:s13], [sflag:$0x2] =	stream.linear.gather [hbm4b:s31+s3], $0x80, $0x38;
	[tilespmem:$0x17D00] =	vst v63  }
0x18: {  	_ =	swait.ge [sflag:s12], $0x80  }
0x19: {  	[sflag:s12] =	ssyncset.done $0x0  }
0x1a: {  	[sflag:s12] =	ssyncadd.s32 $0xFFFFFF80  }
0x1b: {  	[tilespmem:s14], [sflag:$0x1] =	stream.indirect.gather [hbm4b:s4+s13], $0x80, s3, s13, $0xb8;
	[tilespmem:$0x17D00] =	vst v63  }
0x1c: {  	_ =	swait.ge [sflag:s15], $0x4000  }
0x1d: {  	[sflag:s15] =	ssyncset.done $0x0  }
0x1e: {  	[sflag:s15] =	ssyncadd.s32 $0xFFFFC000  }
0x1f: {  	[spmem:s2] =	stream.indirect.scatter.add.f32 [tilespmem:s14], [sflag:$0x2], $0x80, s13, s13, $0xb8;
	[tilespmem:$0x17D00] =	vst v63  }
0x20: {  	_ =	swait.ge [sflag:s12], $0x4000  }
0x21: {  	s18 =	simm.s32 $0x20;
	s17 =	simm.s32 $0x10;
	[sflag:s12] =	ssyncset.done $0x0  }
.LBB2_2:
0x22: {  	s19 =	sadd.s32 s17, s10  }
0x23: {  	[sflag:s12] =	ssyncadd.s32 $0xFFFFC000;
	s20 =	smov.u32 s18;
	s21 =	sadd.s32 $0x10, s18  }
0x24: {  	[tilespmem:s3], [sflag:$0x2] =	stream.linear.gather [hbm4b:s19+s3], $0x80, $0x38;
	[tilespmem:$0x17D00] =	vst v63  }
0x25: {  	p0 =	sne.s32 s18, $0x4F0;
	_ =	swait.ge [sflag:s12], $0x80  }
0x26: {  	[sflag:s12] =	ssyncset.done $0x0  }
0x27: {  	s18 =	sadd.s32 s17, s9;
	s17 =	smov.u32 s20;
	[sflag:s12] =	ssyncadd.s32 $0xFFFFFF80  }
0x28: {  	[tilespmem:s13], [sflag:$0x2] =	stream.linear.gather [hbm4b:s18+s3], $0x80, $0x38;
	[tilespmem:$0x17D00] =	vst v63  }
0x29: {  	_ =	swait.ge [sflag:s12], $0x80  }
0x2a: {  	[sflag:s12] =	ssyncset.done $0x0  }
0x2b: {  	[sflag:s12] =	ssyncadd.s32 $0xFFFFFF80  }
0x2c: {  	[tilespmem:s14], [sflag:$0x1] =	stream.indirect.gather [hbm4b:s4+s13], $0x80, s3, s13, $0xb8;
	[tilespmem:$0x17D00] =	vst v63  }
0x2d: {  	_ =	swait.ge [sflag:s15], $0x4000  }
.Ltmp0:
0x2e: {  	[sflag:s15] =	ssyncset.done $0x0;
	(pc) =	sbr.rel @p0 .LBB2_2-.Ltmp0, $4  }
0x2f: {  	[sflag:s15] =	ssyncadd.s32 $0xFFFFC000  }
0x30: {  	[spmem:s2] =	stream.indirect.scatter.add.f32 [tilespmem:s14], [sflag:$0x2], $0x80, s13, s13, $0xb8;
	[tilespmem:$0x17D00] =	vst v63  }
0x31: {  	_ =	swait.ge [sflag:s12], $0x4000  }
0x32: {  	s18 =	smov.u32 s21;
	[sflag:s12] =	ssyncset.done $0x0  }
0x33: {  	s18 =	sadd.s32 s17, s10;
	[sflag:s12] =	ssyncadd.s32 $0xFFFFC000  }
0x34: {  	[tilespmem:s3], [sflag:$0x2] =	stream.linear.gather [hbm4b:s18+s3], $0x80, $0x38;
	[tilespmem:$0x17D00] =	vst v63  }
0x35: {  	_ =	swait.ge [sflag:s12], $0x80  }
0x36: {  	[sflag:s12] =	ssyncset.done $0x0  }
0x37: {  	s31 =	sadd.s32 s17, s9;
	[sflag:s12] =	ssyncadd.s32 $0xFFFFFF80  }
0x38: {  	[tilespmem:s13], [sflag:$0x2] =	stream.linear.gather [hbm4b:s31+s3], $0x80, $0x38;
	[tilespmem:$0x17D00] =	vst v63  }
0x39: {  	_ =	swait.ge [sflag:s12], $0x80  }
0x3a: {  	[sflag:s12] =	ssyncset.done $0x0  }
0x3b: {  	[sflag:s12] =	ssyncadd.s32 $0xFFFFFF80  }
0x3c: {  	[tilespmem:s14], [sflag:$0x1] =	stream.indirect.gather [hbm4b:s4+s13], $0x80, s3, s13, $0xb8;
	[tilespmem:$0x17D00] =	vst v63  }
0x3d: {  	_ =	swait.ge [sflag:s15], $0x4000  }
0x3e: {  	[sflag:s15] =	ssyncset.done $0x0  }
0x3f: {  	[sflag:s15] =	ssyncadd.s32 $0xFFFFC000  }
0x40: {  	[spmem:s2] =	stream.indirect.scatter.add.f32 [tilespmem:s14], [sflag:$0x2], $0x80, s13, s13, $0xb8;
	[tilespmem:$0x17D00] =	vst v63  }
0x41: {  	_ =	swait.ge [sflag:s12], $0x4000  }
0x42: {  	s16 =	sadd.s32 $0x1, s16;
	[sflag:s12] =	ssyncset.done $0x0  }
0x43: {  	p0 =	sne.s32 s16, s8;
	[sflag:s12] =	ssyncadd.s32 $0xFFFFC000  }
.Ltmp1:
0x44: {  	[bflag:$0x0] =	sbarrier.arrive $0xFFFF;
	(pc) =	sbr.rel @p0 .LBB2_1-.Ltmp1, $4  }
0x45: {  	[hbm:s7], [sflag:s6] =	dma.local [spmem:s11], $0x2780  }
0x46: {  	_ =	swait.ge [sflag:s12], $0x2780  }
0x47: {  	[sflag:s12] =	ssyncset.done $0x0  }
0x48: {  	[sflag:s12] =	ssyncadd.s32 $0xFFFFD880  }
0x49: {  	_ =	sfence.sel $0x180000  }
0x4a: {  	[bflag:$0x0] =	sbarrier.arrive $0xFFFF  }
0x4b: {  	p0 =	sne.s32 s1, $0x0;
	_ =	strace $0x90000047  }
0x4c: {  	s0 =	sadd.s32 @!p0 $0x100000, s0;
	[bflag:$0x2] =	sbarrier.arrive $0xFFFF  }
0x4d: {  	[sflag:s0] =	ssyncadd.tile.s32 @!p0 $0x1;
	_ =	shalt  }
.Lfunc_end2:
_tile_overlayer_lowered:
.L_overlay_start_2:
0x4e: {  	(tag) =	ssettag $0x2  }
0x4f: {  	s0 =	rddreg [dreg:$0x0];
	s2 =	stileid.u32  }
0x50: {  	s1 =	rddreg [dreg:$0x1];
	p0 =	sne.s32 s2, $0x0  }
0x51: {  	s3 =	rddreg [dreg:$0x2];
	[bflag:$0x3] =	sbarrier.arrive $0xFFFF;
	s2 =	simm.s32 @!p0 $0x1C02  }
0x52: {  	[timem:s3], [sflag:s2] =	dma.local @!p0 [hbm:s0], s1  }
0x53: {  	s0 =	simm.s32 @!p0 $0x2  }
0x54: {  	_ =	swait.ge @!p0 [sflag:s0], s1  }
0x55: {  	s1 =	ssub.s32 @!p0 $0x0, s1;
	[sflag:s0] =	ssyncset.done @!p0 $0x0  }
0x56: {  	[sflag:s0] =	ssyncadd.s32 @!p0 s1  }
0x57: {  	[bflag:$0x3] =	sbarrier.arrive $0xFFFF  }
0x58: {  	_ =	shalt  }

// kernel: kernel.13.cloned.1.call-start
scs
__scs_entry_jumppad:
0x0: {  	(pc) =	sbr.rel $0x88, $3  }
0x1: {  	(tag) =	ssettag $0x0;
	lr =	simm.s32 $0x1  }
0x2: {  	[smem:$0x3F91] =	sst lr;
	_ =	strace $0xD0000000  }
0x3: {  	_ = 	snop  }
0x4: {  	_ = 	snop  }
0x5: {  	_ = 	snop  }
0x6: {  	_ = 	snop  }
0x7: {  	_ = 	snop  }
__scs_overlays_trampoline_lowered:
0x8: {  	[smem:$0x3FA0] =	sst s0  }
0x9: {  	[smem:$0x3FA1] =	sst s1  }
0xa: {  	[smem:$0x3FA2] =	sst s2  }
0xb: {  	[smem:$0x3FA3] =	sst s3  }
0xc: {  	[smem:$0x3FA4] =	sst s4  }
0xd: {  	[smem:$0x3FA5] =	sst s5  }
0xe: {  	[smem:$0x3FA6] =	sst s6  }
0xf: {  	[smem:$0x3FA7] =	sst s7  }
0x10: {  	[smem:$0x3FA8] =	sst s8  }
0x11: {  	[smem:$0x3FA9] =	sst s9;
	s0 =	simm.s32 @!p0 $0x0  }
0x12: {  	s1 =	sld [smem:$0x3F8F];
	s0 =	simm.s32 @p0 $0x1  }
0x13: {  	[smem:$0x3FAA] =	sst s0;
	s0 =	simm.s32 @!p1 $0x0  }
0x14: {  	s2 =	sld [smem:$0x3F8E];
	s0 =	simm.s32 @p1 $0x1  }
0x15: {  	[smem:$0x3FAB] =	sst s0;
	s0 =	simm.s32 @!p2 $0x0  }
0x16: {  	s3 =	sld [smem:$0x3FDB];
	s0 =	simm.s32 @p2 $0x1  }
0x17: {  	s4 =	simm.s32 $0x1BF5;
	[smem:$0x3FAD] =	sst s0  }
0x18: {  	s0 =	sld [smem:$0x3F90];
	_ =	swait.ge [sflag:s4], $0x0  }
0x19: {  	s7 =	sld [smem:$0x3F91]  }
0x1a: {  	s8 =	sadd.s32 $0xFFFFE003, lr  }
0x1b: {  	s9 =	sadd.s32 $0xFFFFFEF7, lr;
	s5 =	simm.s32 $0xFFFFFFFF;
	p2 =	slt.u32 s8, $0xFFFFF086  }
0x1c: {  	p1 =	slt.u32 s9, $0xF7A;
	s5 =	simm.s32 @!p2 $0x0  }
0x1d: {  	s5 =	simm.s32 @p1 $0x1;
	p0 =	seq.s32 s7, s2  }
0x1e: {  	s7 =	smul.u32 @!p0 $0xF7A, s2;
	p2 =	seq.s32 @!p0 s5, $0x0  }
0x1f: {  	s9 =	smul.u32 $0xF7A, s1;
	s8 =	simm.s32 @!p0 $0x1BF5;
	p2 =	por !p2, p0  }
0x20: {  	[sflag:s8] =	ssyncset.s32 @!p0 $0xFFFFF086;
	s6 =	sadd.s32 @!p0 s3, s7;
	s7 =	simm.s32 @!p0 $0x108  }
0x21: {  	s3 =	sadd.s32 s3, s9;
	s6 =	sadd.s32 @!p0 $0x88, s6;
	s7 =	simm.s32 @p2 $0x1082  }
0x22: {  	[simem:s7], [sflag:s8] =	dma.local @!p0 [hbm:s6], $0xF7A  }
0x23: {  	s9 =	sor.u32 $0xD0000000, s2;
	s6 =	simm.s32 $0x108;
	_ =	swait.ge @!p0 [sflag:s8], $0x0  }
0x24: {  	s3 =	sadd.s32 $0x88, s3;
	s6 =	simm.s32 @!p1 $0x1082;
	[sflag:s4] =	ssyncset.s32 $0xFFFFF086  }
0x25: {  	[simem:s6], [sflag:s4] =	dma.local [hbm:s3], $0xF7A  }
0x26: {  	[smem:$0x3F91] =	sst s1;
	(tag) =	ssettag s2;
	_ =	strace s9  }
0x27: {  	s1 =	sld [smem:$0x3FA1]  }
0x28: {  	s2 =	sld [smem:$0x3FA2]  }
0x29: {  	s4 =	sld [smem:$0x3FA4]  }
0x2a: {  	p0 =	seq.s32 s5, $0x0;
	s5 =	sld [smem:$0x3FA5]  }
0x2b: {  	s6 =	sld [smem:$0x3FA6]  }
0x2c: {  	s7 =	sld [smem:$0x3FA7]  }
0x2d: {  	s3 =	simm.s32 $0x108;
	s8 =	sld [smem:$0x3FA8]  }
0x2e: {  	s3 =	simm.s32 @!p0 $0x1082;
	s9 =	sld [smem:$0x3FA9]  }
0x2f: {  	lr =	sadd.s32 s0, s3;
	s0 =	sld [smem:$0x3FA0]  }
0x30: {  	s3 =	sld [smem:$0x3FA3]  }
0x31: {  	[smem:$0x3FAC] =	sst s10  }
0x32: {  	s10 =	sld [smem:$0x3FAA];
	_ =	sdelay $0x3  }
0x33: {  	p0 =	seq.s32 s10, $0x1;
	s10 =	sld [smem:$0x3FAC];
	_ =	sdelay $0x3  }
0x34: {  	[smem:$0x3FAC] =	sst s10  }
0x35: {  	s10 =	sld [smem:$0x3FAB];
	_ =	sdelay $0x3  }
0x36: {  	p1 =	seq.s32 s10, $0x1;
	s10 =	sld [smem:$0x3FAC];
	_ =	sdelay $0x3  }
0x37: {  	[smem:$0x3FAC] =	sst s10  }
0x38: {  	s10 =	sld [smem:$0x3FAD]  }
0x39: {  	_ = 	snop;
	(pc) =	sbr.ind lr, $3  }
0x3a: {  	_ = 	snop  }
0x3b: {  	_ = 	snop  }
0x3c: {  	p2 =	seq.s32 s10, $0x1;
	s10 =	sld [smem:$0x3FAC]  }
0x3d: {  	_ =	shalt  }
0x3e: {  	_ =	shalt  }
0x3f: {  	_ =	shalt  }
0x40: {  	_ =	shalt  }
0x41: {  	_ =	shalt  }
0x42: {  	_ =	shalt  }
0x43: {  	_ =	shalt  }
0x44: {  	_ =	shalt  }
0x45: {  	_ =	shalt  }
0x46: {  	_ =	shalt  }
0x47: {  	_ =	shalt  }
0x48: {  	_ =	shalt  }
0x49: {  	_ =	shalt  }
0x4a: {  	_ =	shalt  }
0x4b: {  	_ =	shalt  }
0x4c: {  	_ =	shalt  }
0x4d: {  	_ =	shalt  }
0x4e: {  	_ =	shalt  }
0x4f: {  	_ =	shalt  }
0x50: {  	_ =	shalt  }
0x51: {  	_ =	shalt  }
0x52: {  	_ =	shalt  }
0x53: {  	_ =	shalt  }
0x54: {  	_ =	shalt  }
0x55: {  	_ =	shalt  }
0x56: {  	_ =	shalt  }
0x57: {  	_ =	shalt  }
0x58: {  	_ =	shalt  }
0x59: {  	_ =	shalt  }
0x5a: {  	_ =	shalt  }
0x5b: {  	_ =	shalt  }
0x5c: {  	_ =	shalt  }
0x5d: {  	_ =	shalt  }
0x5e: {  	_ =	shalt  }
0x5f: {  	_ =	shalt  }
0x60: {  	_ =	shalt  }
0x61: {  	_ =	shalt  }
0x62: {  	_ =	shalt  }
0x63: {  	_ =	shalt  }
0x64: {  	_ =	shalt  }
0x65: {  	_ =	shalt  }
0x66: {  	_ =	shalt  }
0x67: {  	_ =	shalt  }
0x68: {  	_ =	shalt  }
0x69: {  	_ =	shalt  }
0x6a: {  	_ =	shalt  }
0x6b: {  	_ =	shalt  }
0x6c: {  	_ =	shalt  }
0x6d: {  	_ =	shalt  }
0x6e: {  	_ =	shalt  }
0x6f: {  	_ =	shalt  }
0x70: {  	_ =	shalt  }
0x71: {  	_ =	shalt  }
0x72: {  	_ =	shalt  }
0x73: {  	_ =	shalt  }
0x74: {  	_ =	shalt  }
0x75: {  	_ =	shalt  }
0x76: {  	_ =	shalt  }
0x77: {  	_ =	shalt  }
0x78: {  	_ =	shalt  }
0x79: {  	_ =	shalt  }
0x7a: {  	_ =	shalt  }
0x7b: {  	_ =	shalt  }
0x7c: {  	_ =	shalt  }
0x7d: {  	_ =	shalt  }
0x7e: {  	_ =	shalt  }
0x7f: {  	_ =	shalt  }
0x80: {  	_ =	shalt  }
0x81: {  	_ =	shalt  }
0x82: {  	_ =	shalt  }
0x83: {  	_ =	shalt  }
0x84: {  	_ =	shalt  }
0x85: {  	_ =	shalt  }
0x86: {  	_ =	shalt  }
0x87: {  	_ =	shalt  }
.Lfunc_end0:
.L_simem_size_0:
called_computation.1_lowered:
.L_overlay_start_0:
0x88: {  	s2 =	sld [smem:$0x3FD9]  }
0x89: {  	s3 =	sld [smem:$0x3FFE];
	_ =	sdelay $0x1  }
0x8a: {  	s1 =	srdreg.scid  }
0x8b: {  	s0 =	sand.u32 $0x1, s1  }
0x8c: {  	s16 =	sshll.u32 s0, $0xA;
	s2 =	sadd.s32 s3, s2  }
0x8d: {  	s2 =	sadd.s32 s2, s16  }
0x8e: {  	[smem:$0x3FB8] =	sst s2  }
0x8f: {  	_ = 	snop  }
0x90: {  	(tm) =	ssettm $0x1  }
0x91: {  	s17 =	sld [smem:$0x3FFB];
	_ =	sdelay $0x3  }
0x92: {  	_ =	strace s17  }
0x93: {  	s2 =	sld [smem:$0x3FFC];
	_ =	sdelay $0x3  }
0x94: {  	_ =	strace s2  }
0x95: {  	s2 =	sld [smem:$0x3FFD];
	_ =	sdelay $0x3  }
0x96: {  	_ =	strace s2  }
0x97: {  	_ =	strace $0x8FFFFFFF  }
0x98: {  	s18 =	sld [smem:$0x3FDB];
	_ =	sdelay $0x1  }
0x99: {  	s19 =	simm.s32 $_scs_section_size  }
0x9a: {  	s4 =	simm.s32 $_size__tile_overlayer_lowered;
	s5 =	simm.s32 $_tile_overlayer_lowered  }
0x9b: {  	s22 =	simm.s32 $0x1BFF;
	s21 =	sshll.u32 s5, $0x1;
	s2 =	sadd.s32 s19, s18  }
0x9c: {  	s6 =	simm.s32 $0x0;
	s20 =	sshll.u32 s4, $0x1;
	s4 =	sadd.s32 s21, s2  }
0x9d: {  	[timem:s6], [sflag:s22] =	dma.local [hbm:s4], s20  }
0x9e: {  	_ =	swait.ge [sflag:s22], s20  }
0x9f: {  	s3 =	ssub.s32 $0x0, s20;
	[sflag:s22] =	ssyncset.done $0x0  }
0xa0: {  	[sflag:s22] =	ssyncadd.s32 s3;
	_ =	sdelay $0x1  }
0xa1: {  	s23 =	simm.s32 $0x1B8B  }
0xa2: {  	_ =	swait.ge [sflag:s23], $0x1  }
0xa3: {  	[sflag:s23] =	ssyncset.done $0x0  }
0xa4: {  	s25 =	simm.s32 $0x1B8E;
	s24 =	sld [smem:$0x3FFE];
	[sflag:s23] =	ssyncadd.s32 $0xFFFFFFFF  }
0xa5: {  	s26 =	simm.s32 $execute0_lowered;
	[smem:$0x3FD2] =	sst s25  }
0xa6: {  	s4 =	sshll.u32 s26, $0x1;
	_ =	strace $0x80000049;
	[dreg:$0x1] =	wrdreg $0xFFFFFFFF  }
0xa7: {  	s28 =	simm.s32 $_size_execute0_lowered;
	s2 =	sadd.s32 s2, s4;
	[dreg:$0x0] =	wrdreg $0x0  }
0xa8: {  	s4 =	sshll.u32 s28, $0x1;
	[dreg:$0x2] =	wrdreg s2  }
0xa9: {  	[dreg:$0x3] =	wrdreg s4  }
0xaa: {  	[dreg:$0x4] =	wrdreg $0xC0  }
0xab: {  	_ =	task [dreg:s6], $0x5FFFF  }
0xac: {  	[dreg:$0x1] =	wrdreg $0xFFFFFFFF  }
0xad: {  	[dreg:$0x0] =	wrdreg $0x60  }
0xae: {  	[dreg:$0x2] =	wrdreg s24  }
0xaf: {  	[dreg:$0x3] =	wrdreg $0x41000  }
0xb0: {  	[dreg:$0x4] =	wrdreg $0x9  }
0xb1: {  	_ =	task.clear_ibuf [dreg:s6], $0x5FFFF;
	_ =	strace $0x90000049  }
0xb2: {  	s29 =	simm.s32 $0x9;
	_ =	strace $0x8000004B  }
0xb3: {  	_ =	swait.ge [sflag:s29], $0x1  }
0xb4: {  	[sflag:s29] =	ssyncadd.s32 $0xFFFFFFFF  }
0xb5: {  	_ =	strace $0x9000004B  }
0xb6: {  	_ =	sfence  }
0xb7: {  	s30 =	sld [smem:$0x0];
	_ =	sdelay $0x2  }
0xb8: {  	s31 =	sshll.u32 s1, $0xD;
	s1 =	sshrl.u32 s1, $0x2  }
0xb9: {  	s3 =	sand.u32 $0x4000, s31;
	s1 =	sadd.s32 s1, s30  }
0xba: {  	s0 =	sor.u32 s3, s0;
	s1 =	sshll.u32 s1, $0x11  }
0xbb: {  	s0 =	sor.u32 s1, s0  }
0xbc: {  	s0 =	sadd.s32 $0x8F2B, s0  }
0xbd: {  	[sflag:s0] =	ssyncadd.remote.s32 $0x1  }
0xbe: {  	_ =	sfence.sel $0xFFFF  }
0xbf: {  	[dreg:$0x0] =	wrdreg $0xFFFFFFFF;
	(pc) =	sbr.abs _section_cstart, $3  }
0xc0: {  	[dreg:$0x1] =	wrdreg $0xFFFFFFFF  }
0xc1: {  	_ =	task.clear_ibuf [dreg:s6], $0x2FFFF;
	_ =	strace $0x9FFFFFFF  }
0xc2: {  	(tm) =	ssettm $0x7FFFFFFF  }
0xc3: {  	_ =	shalt  }
tec
execute0_lowered:
.L_overlay_start_1:
0x0: {  	(tag) =	ssettag $0x1  }
0x1: {  	s6 =	rddreg [dreg:$0x0];
	s0 =	srdreg.scid  }
0x2: {  	s2 =	rddreg [dreg:$0x1];
	s1 =	stileid.u32;
	s3 =	simm.s32 $0x0  }
0x3: {  	s14 =	simm.s32 $0x100;
	s15 =	simm.s32 $0x1;
	s8 =	smul.u32 $0x13C00, s1  }
0x4: {  	s7 =	sand.u32 $0x1, s0;
	s0 =	rddreg [dreg:$0x2];
	s10 =	smul.u32 $0x4F000, s1  }
0x5: {  	s16 =	simm.s32 $0x0;
	[smem:$0x7FF] =	sst s3;
	s11 =	smul.u32 $0x500, s1  }
0x6: {  	s4 =	sadd.s32 $0x17000, s6;
	s30 =	sshll.u32 s1, $0x6;
	s5 =	smul.u32 $0x13C000, s7  }
0x7: {  	s9 =	smul.u32 $0x5000, s7;
	_ =	strace $0x8000004A;
	s29 =	ssub.s32 $0x2, s7  }
0x8: {  	s7 =	sshrl.u32 s29, $0x1;
	s10 =	sshrl.u32 s10, $0x2;
	s5 =	sadd.s32 s8, s5  }
0x9: {  	s26 =	sadd.s32 s9, s6;
	s12 =	ssub.s32 s29, s7;
	s13 =	sadd.s32 s10, s2  }
0xa: {  	s28 =	sshrl.u32 s5, $0x3;
	s5 =	sadd.s32 $0x3E200, s6;
	s31 =	sadd.s32 s11, s26  }
0xb: {  	s8 =	smax.u32 s12, $0x1;
	s11 =	sshrl.u32 s13, $0x3;
	s12 =	simm.s32 $0x2  }
0xc: {  	s13 =	simm.s32 $0x80;
	s9 =	sadd.s32 s28, s6;
	s6 =	sor.u32 $0x1C02, s30  }
0xd: {  	s10 =	sadd.s32 $0xD000, s31;
	s7 =	sadd.s32 $0x40A00, s9;
	s9 =	sadd.s32 $0x3000, s31  }
.LBB2_1:
0xe: {  	[spmem:s11], [sflag:s6] =	dma.local [hbm:s5], $0x2780  }
0xf: {  	_ =	swait.ge [sflag:s12], $0x2780  }
0x10: {  	[sflag:s12] =	ssyncset.done $0x0  }
0x11: {  	[sflag:s12] =	ssyncadd.s32 $0xFFFFD880  }
0x12: {  	s17 =	sadd.s32 $0x0, s10;
	[bflag:$0x0] =	sbarrier.arrive $0xFFFF  }
0x13: {  	[tilespmem:s3], [sflag:$0x2] =	stream.linear.gather [hbm4b:s17+s3], $0x80, $0x38;
	[tilespmem:$0x17D00] =	vst v63  }
0x14: {  	_ =	swait.ge [sflag:s12], $0x80  }
0x15: {  	[sflag:s12] =	ssyncset.done $0x0  }
0x16: {  	s31 =	sadd.s32 $0x0, s9;
	[sflag:s12] =	ssyncadd.s32 $0xFFFFFF80  }
0x17: {  	[tilespmem:s13], [sflag:$0x2] =	stream.linear.gather [hbm4b:s31+s3], $0x80, $0x38;
	[tilespmem:$0x17D00] =	vst v63  }
0x18: {  	_ =	swait.ge [sflag:s12], $0x80  }
0x19: {  	[sflag:s12] =	ssyncset.done $0x0  }
0x1a: {  	[sflag:s12] =	ssyncadd.s32 $0xFFFFFF80  }
0x1b: {  	[tilespmem:s14], [sflag:$0x1] =	stream.indirect.gather [hbm4b:s4+s13], $0x80, s3, s13, $0xb8;
	[tilespmem:$0x17D00] =	vst v63  }
0x1c: {  	_ =	swait.ge [sflag:s15], $0x4000  }
0x1d: {  	[sflag:s15] =	ssyncset.done $0x0  }
0x1e: {  	[sflag:s15] =	ssyncadd.s32 $0xFFFFC000  }
0x1f: {  	[spmem:s2] =	stream.indirect.scatter.add.f32 [tilespmem:s14], [sflag:$0x2], $0x80, s13, s13, $0xb8;
	[tilespmem:$0x17D00] =	vst v63  }
0x20: {  	_ =	swait.ge [sflag:s12], $0x4000  }
0x21: {  	s18 =	simm.s32 $0x20;
	s17 =	simm.s32 $0x10;
	[sflag:s12] =	ssyncset.done $0x0  }
.LBB2_2:
0x22: {  	s19 =	sadd.s32 s17, s10  }
0x23: {  	[sflag:s12] =	ssyncadd.s32 $0xFFFFC000;
	s20 =	smov.u32 s18;
	s21 =	sadd.s32 $0x10, s18  }
0x24: {  	[tilespmem:s3], [sflag:$0x2] =	stream.linear.gather [hbm4b:s19+s3], $0x80, $0x38;
	[tilespmem:$0x17D00] =	vst v63  }
0x25: {  	p0 =	sne.s32 s18, $0x4F0;
	_ =	swait.ge [sflag:s12], $0x80  }
0x26: {  	[sflag:s12] =	ssyncset.done $0x0  }
0x27: {  	s18 =	sadd.s32 s17, s9;
	s17 =	smov.u32 s20;
	[sflag:s12] =	ssyncadd.s32 $0xFFFFFF80  }
0x28: {  	[tilespmem:s13], [sflag:$0x2] =	stream.linear.gather [hbm4b:s18+s3], $0x80, $0x38;
	[tilespmem:$0x17D00] =	vst v63  }
0x29: {  	_ =	swait.ge [sflag:s12], $0x80  }
0x2a: {  	[sflag:s12] =	ssyncset.done $0x0  }
0x2b: {  	[sflag:s12] =	ssyncadd.s32 $0xFFFFFF80  }
0x2c: {  	[tilespmem:s14], [sflag:$0x1] =	stream.indirect.gather [hbm4b:s4+s13], $0x80, s3, s13, $0xb8;
	[tilespmem:$0x17D00] =	vst v63  }
0x2d: {  	_ =	swait.ge [sflag:s15], $0x4000  }
.Ltmp0:
0x2e: {  	[sflag:s15] =	ssyncset.done $0x0;
	(pc) =	sbr.rel @p0 .LBB2_2-.Ltmp0, $4  }
0x2f: {  	[sflag:s15] =	ssyncadd.s32 $0xFFFFC000  }
0x30: {  	[spmem:s2] =	stream.indirect.scatter.add.f32 [tilespmem:s14], [sflag:$0x2], $0x80, s13, s13, $0xb8;
	[tilespmem:$0x17D00] =	vst v63  }
0x31: {  	_ =	swait.ge [sflag:s12], $0x4000  }
0x32: {  	s18 =	smov.u32 s21;
	[sflag:s12] =	ssyncset.done $0x0  }
0x33: {  	s18 =	sadd.s32 s17, s10;
	[sflag:s12] =	ssyncadd.s32 $0xFFFFC000  }
0x34: {  	[tilespmem:s3], [sflag:$0x2] =	stream.linear.gather [hbm4b:s18+s3], $0x80, $0x38;
	[tilespmem:$0x17D00] =	vst v63  }
0x35: {  	_ =	swait.ge [sflag:s12], $0x80  }
0x36: {  	[sflag:s12] =	ssyncset.done $0x0  }
0x37: {  	s31 =	sadd.s32 s17, s9;
	[sflag:s12] =	ssyncadd.s32 $0xFFFFFF80  }
0x38: {  	[tilespmem:s13], [sflag:$0x2] =	stream.linear.gather [hbm4b:s31+s3], $0x80, $0x38;
	[tilespmem:$0x17D00] =	vst v63  }
0x39: {  	_ =	swait.ge [sflag:s12], $0x80  }
0x3a: {  	[sflag:s12] =	ssyncset.done $0x0  }
0x3b: {  	[sflag:s12] =	ssyncadd.s32 $0xFFFFFF80  }
0x3c: {  	[tilespmem:s14], [sflag:$0x1] =	stream.indirect.gather [hbm4b:s4+s13], $0x80, s3, s13, $0xb8;
	[tilespmem:$0x17D00] =	vst v63  }
0x3d: {  	_ =	swait.ge [sflag:s15], $0x4000  }
0x3e: {  	[sflag:s15] =	ssyncset.done $0x0  }
0x3f: {  	[sflag:s15] =	ssyncadd.s32 $0xFFFFC000  }
0x40: {  	[spmem:s2] =	stream.indirect.scatter.add.f32 [tilespmem:s14], [sflag:$0x2], $0x80, s13, s13, $0xb8;
	[tilespmem:$0x17D00] =	vst v63  }
0x41: {  	_ =	swait.ge [sflag:s12], $0x4000  }
0x42: {  	s16 =	sadd.s32 $0x1, s16;
	[sflag:s12] =	ssyncset.done $0x0  }
0x43: {  	p0 =	sne.s32 s16, s8;
	[sflag:s12] =	ssyncadd.s32 $0xFFFFC000  }
.Ltmp1:
0x44: {  	[bflag:$0x0] =	sbarrier.arrive $0xFFFF;
	(pc) =	sbr.rel @p0 .LBB2_1-.Ltmp1, $4  }
0x45: {  	[hbm:s7], [sflag:s6] =	dma.local [spmem:s11], $0x2780  }
0x46: {  	_ =	swait.ge [sflag:s12], $0x2780  }
0x47: {  	[sflag:s12] =	ssyncset.done $0x0  }
0x48: {  	[sflag:s12] =	ssyncadd.s32 $0xFFFFD880  }
0x49: {  	_ =	sfence.sel $0x180000  }
0x4a: {  	[bflag:$0x0] =	sbarrier.arrive $0xFFFF  }
0x4b: {  	p0 =	sne.s32 s1, $0x0;
	_ =	strace $0x9000004A  }
0x4c: {  	s0 =	sadd.s32 @!p0 $0x100000, s0;
	[bflag:$0x2] =	sbarrier.arrive $0xFFFF  }
0x4d: {  	[sflag:s0] =	ssyncadd.tile.s32 @!p0 $0x1;
	_ =	shalt  }
.Lfunc_end2:
_tile_overlayer_lowered:
.L_overlay_start_2:
0x4e: {  	(tag) =	ssettag $0x2  }
0x4f: {  	s0 =	rddreg [dreg:$0x0];
	s2 =	stileid.u32  }
0x50: {  	s1 =	rddreg [dreg:$0x1];
	p0 =	sne.s32 s2, $0x0  }
0x51: {  	s3 =	rddreg [dreg:$0x2];
	[bflag:$0x3] =	sbarrier.arrive $0xFFFF;
	s2 =	simm.s32 @!p0 $0x1C02  }
0x52: {  	[timem:s3], [sflag:s2] =	dma.local @!p0 [hbm:s0], s1  }
0x53: {  	s0 =	simm.s32 @!p0 $0x2  }
0x54: {  	_ =	swait.ge @!p0 [sflag:s0], s1  }
0x55: {  	s1 =	ssub.s32 @!p0 $0x0, s1;
	[sflag:s0] =	ssyncset.done @!p0 $0x0  }
0x56: {  	[sflag:s0] =	ssyncadd.s32 @!p0 s1  }
0x57: {  	[bflag:$0x3] =	sbarrier.arrive $0xFFFF  }
0x58: {  	_ =	shalt  }

// kernel: kernel.16.cloned.1.call-start
scs
__scs_entry_jumppad:
0x0: {  	(pc) =	sbr.rel $0x88, $3  }
0x1: {  	(tag) =	ssettag $0x0;
	lr =	simm.s32 $0x1  }
0x2: {  	[smem:$0x3F91] =	sst lr;
	_ =	strace $0xD0000000  }
0x3: {  	_ = 	snop  }
0x4: {  	_ = 	snop  }
0x5: {  	_ = 	snop  }
0x6: {  	_ = 	snop  }
0x7: {  	_ = 	snop  }
__scs_overlays_trampoline_lowered:
0x8: {  	[smem:$0x3FA0] =	sst s0  }
0x9: {  	[smem:$0x3FA1] =	sst s1  }
0xa: {  	[smem:$0x3FA2] =	sst s2  }
0xb: {  	[smem:$0x3FA3] =	sst s3  }
0xc: {  	[smem:$0x3FA4] =	sst s4  }
0xd: {  	[smem:$0x3FA5] =	sst s5  }
0xe: {  	[smem:$0x3FA6] =	sst s6  }
0xf: {  	[smem:$0x3FA7] =	sst s7  }
0x10: {  	[smem:$0x3FA8] =	sst s8  }
0x11: {  	[smem:$0x3FA9] =	sst s9;
	s0 =	simm.s32 @!p0 $0x0  }
0x12: {  	s1 =	sld [smem:$0x3F8F];
	s0 =	simm.s32 @p0 $0x1  }
0x13: {  	[smem:$0x3FAA] =	sst s0;
	s0 =	simm.s32 @!p1 $0x0  }
0x14: {  	s2 =	sld [smem:$0x3F8E];
	s0 =	simm.s32 @p1 $0x1  }
0x15: {  	[smem:$0x3FAB] =	sst s0;
	s0 =	simm.s32 @!p2 $0x0  }
0x16: {  	s3 =	sld [smem:$0x3FDB];
	s0 =	simm.s32 @p2 $0x1  }
0x17: {  	s4 =	simm.s32 $0x1BF5;
	[smem:$0x3FAD] =	sst s0  }
0x18: {  	s0 =	sld [smem:$0x3F90];
	_ =	swait.ge [sflag:s4], $0x0  }
0x19: {  	s7 =	sld [smem:$0x3F91]  }
0x1a: {  	s8 =	sadd.s32 $0xFFFFE003, lr  }
0x1b: {  	s9 =	sadd.s32 $0xFFFFFEF7, lr;
	s5 =	simm.s32 $0xFFFFFFFF;
	p2 =	slt.u32 s8, $0xFFFFF086  }
0x1c: {  	p1 =	slt.u32 s9, $0xF7A;
	s5 =	simm.s32 @!p2 $0x0  }
0x1d: {  	s5 =	simm.s32 @p1 $0x1;
	p0 =	seq.s32 s7, s2  }
0x1e: {  	s7 =	smul.u32 @!p0 $0xF7A, s2;
	p2 =	seq.s32 @!p0 s5, $0x0  }
0x1f: {  	s9 =	smul.u32 $0xF7A, s1;
	s8 =	simm.s32 @!p0 $0x1BF5;
	p2 =	por !p2, p0  }
0x20: {  	[sflag:s8] =	ssyncset.s32 @!p0 $0xFFFFF086;
	s6 =	sadd.s32 @!p0 s3, s7;
	s7 =	simm.s32 @!p0 $0x108  }
0x21: {  	s3 =	sadd.s32 s3, s9;
	s6 =	sadd.s32 @!p0 $0x88, s6;
	s7 =	simm.s32 @p2 $0x1082  }
0x22: {  	[simem:s7], [sflag:s8] =	dma.local @!p0 [hbm:s6], $0xF7A  }
0x23: {  	s9 =	sor.u32 $0xD0000000, s2;
	s6 =	simm.s32 $0x108;
	_ =	swait.ge @!p0 [sflag:s8], $0x0  }
0x24: {  	s3 =	sadd.s32 $0x88, s3;
	s6 =	simm.s32 @!p1 $0x1082;
	[sflag:s4] =	ssyncset.s32 $0xFFFFF086  }
0x25: {  	[simem:s6], [sflag:s4] =	dma.local [hbm:s3], $0xF7A  }
0x26: {  	[smem:$0x3F91] =	sst s1;
	(tag) =	ssettag s2;
	_ =	strace s9  }
0x27: {  	s1 =	sld [smem:$0x3FA1]  }
0x28: {  	s2 =	sld [smem:$0x3FA2]  }
0x29: {  	s4 =	sld [smem:$0x3FA4]  }
0x2a: {  	p0 =	seq.s32 s5, $0x0;
	s5 =	sld [smem:$0x3FA5]  }
0x2b: {  	s6 =	sld [smem:$0x3FA6]  }
0x2c: {  	s7 =	sld [smem:$0x3FA7]  }
0x2d: {  	s3 =	simm.s32 $0x108;
	s8 =	sld [smem:$0x3FA8]  }
0x2e: {  	s3 =	simm.s32 @!p0 $0x1082;
	s9 =	sld [smem:$0x3FA9]  }
0x2f: {  	lr =	sadd.s32 s0, s3;
	s0 =	sld [smem:$0x3FA0]  }
0x30: {  	s3 =	sld [smem:$0x3FA3]  }
0x31: {  	[smem:$0x3FAC] =	sst s10  }
0x32: {  	s10 =	sld [smem:$0x3FAA];
	_ =	sdelay $0x3  }
0x33: {  	p0 =	seq.s32 s10, $0x1;
	s10 =	sld [smem:$0x3FAC];
	_ =	sdelay $0x3  }
0x34: {  	[smem:$0x3FAC] =	sst s10  }
0x35: {  	s10 =	sld [smem:$0x3FAB];
	_ =	sdelay $0x3  }
0x36: {  	p1 =	seq.s32 s10, $0x1;
	s10 =	sld [smem:$0x3FAC];
	_ =	sdelay $0x3  }
0x37: {  	[smem:$0x3FAC] =	sst s10  }
0x38: {  	s10 =	sld [smem:$0x3FAD]  }
0x39: {  	_ = 	snop;
	(pc) =	sbr.ind lr, $3  }
0x3a: {  	_ = 	snop  }
0x3b: {  	_ = 	snop  }
0x3c: {  	p2 =	seq.s32 s10, $0x1;
	s10 =	sld [smem:$0x3FAC]  }
0x3d: {  	_ =	shalt  }
0x3e: {  	_ =	shalt  }
0x3f: {  	_ =	shalt  }
0x40: {  	_ =	shalt  }
0x41: {  	_ =	shalt  }
0x42: {  	_ =	shalt  }
0x43: {  	_ =	shalt  }
0x44: {  	_ =	shalt  }
0x45: {  	_ =	shalt  }
0x46: {  	_ =	shalt  }
0x47: {  	_ =	shalt  }
0x48: {  	_ =	shalt  }
0x49: {  	_ =	shalt  }
0x4a: {  	_ =	shalt  }
0x4b: {  	_ =	shalt  }
0x4c: {  	_ =	shalt  }
0x4d: {  	_ =	shalt  }
0x4e: {  	_ =	shalt  }
0x4f: {  	_ =	shalt  }
0x50: {  	_ =	shalt  }
0x51: {  	_ =	shalt  }
0x52: {  	_ =	shalt  }
0x53: {  	_ =	shalt  }
0x54: {  	_ =	shalt  }
0x55: {  	_ =	shalt  }
0x56: {  	_ =	shalt  }
0x57: {  	_ =	shalt  }
0x58: {  	_ =	shalt  }
0x59: {  	_ =	shalt  }
0x5a: {  	_ =	shalt  }
0x5b: {  	_ =	shalt  }
0x5c: {  	_ =	shalt  }
0x5d: {  	_ =	shalt  }
0x5e: {  	_ =	shalt  }
0x5f: {  	_ =	shalt  }
0x60: {  	_ =	shalt  }
0x61: {  	_ =	shalt  }
0x62: {  	_ =	shalt  }
0x63: {  	_ =	shalt  }
0x64: {  	_ =	shalt  }
0x65: {  	_ =	shalt  }
0x66: {  	_ =	shalt  }
0x67: {  	_ =	shalt  }
0x68: {  	_ =	shalt  }
0x69: {  	_ =	shalt  }
0x6a: {  	_ =	shalt  }
0x6b: {  	_ =	shalt  }
0x6c: {  	_ =	shalt  }
0x6d: {  	_ =	shalt  }
0x6e: {  	_ =	shalt  }
0x6f: {  	_ =	shalt  }
0x70: {  	_ =	shalt  }
0x71: {  	_ =	shalt  }
0x72: {  	_ =	shalt  }
0x73: {  	_ =	shalt  }
0x74: {  	_ =	shalt  }
0x75: {  	_ =	shalt  }
0x76: {  	_ =	shalt  }
0x77: {  	_ =	shalt  }
0x78: {  	_ =	shalt  }
0x79: {  	_ =	shalt  }
0x7a: {  	_ =	shalt  }
0x7b: {  	_ =	shalt  }
0x7c: {  	_ =	shalt  }
0x7d: {  	_ =	shalt  }
0x7e: {  	_ =	shalt  }
0x7f: {  	_ =	shalt  }
0x80: {  	_ =	shalt  }
0x81: {  	_ =	shalt  }
0x82: {  	_ =	shalt  }
0x83: {  	_ =	shalt  }
0x84: {  	_ =	shalt  }
0x85: {  	_ =	shalt  }
0x86: {  	_ =	shalt  }
0x87: {  	_ =	shalt  }
.Lfunc_end0:
.L_simem_size_0:
called_computation.2_lowered:
.L_overlay_start_0:
0x88: {  	s2 =	sld [smem:$0x3FD9]  }
0x89: {  	s3 =	sld [smem:$0x3FFE];
	_ =	sdelay $0x1  }
0x8a: {  	s1 =	srdreg.scid  }
0x8b: {  	s0 =	sand.u32 $0x1, s1  }
0x8c: {  	s16 =	sshll.u32 s0, $0xA;
	s2 =	sadd.s32 s3, s2  }
0x8d: {  	s2 =	sadd.s32 s2, s16  }
0x8e: {  	[smem:$0x3FB8] =	sst s2  }
0x8f: {  	_ = 	snop  }
0x90: {  	(tm) =	ssettm $0x1  }
0x91: {  	s17 =	sld [smem:$0x3FFB];
	_ =	sdelay $0x3  }
0x92: {  	_ =	strace s17  }
0x93: {  	s2 =	sld [smem:$0x3FFC];
	_ =	sdelay $0x3  }
0x94: {  	_ =	strace s2  }
0x95: {  	s2 =	sld [smem:$0x3FFD];
	_ =	sdelay $0x3  }
0x96: {  	_ =	strace s2  }
0x97: {  	_ =	strace $0x8FFFFFFF  }
0x98: {  	s18 =	sld [smem:$0x3FDB];
	_ =	sdelay $0x1  }
0x99: {  	s19 =	simm.s32 $_scs_section_size  }
0x9a: {  	s4 =	simm.s32 $_size__tile_overlayer_lowered;
	s5 =	simm.s32 $_tile_overlayer_lowered  }
0x9b: {  	s22 =	simm.s32 $0x1BFF;
	s21 =	sshll.u32 s5, $0x1;
	s2 =	sadd.s32 s19, s18  }
0x9c: {  	s6 =	simm.s32 $0x0;
	s20 =	sshll.u32 s4, $0x1;
	s4 =	sadd.s32 s21, s2  }
0x9d: {  	[timem:s6], [sflag:s22] =	dma.local [hbm:s4], s20  }
0x9e: {  	_ =	swait.ge [sflag:s22], s20  }
0x9f: {  	s3 =	ssub.s32 $0x0, s20;
	[sflag:s22] =	ssyncset.done $0x0  }
0xa0: {  	[sflag:s22] =	ssyncadd.s32 s3;
	_ =	sdelay $0x1  }
0xa1: {  	s23 =	simm.s32 $0x1B8B  }
0xa2: {  	_ =	swait.ge [sflag:s23], $0x1  }
0xa3: {  	[sflag:s23] =	ssyncset.done $0x0  }
0xa4: {  	s25 =	simm.s32 $0x1B8E;
	s24 =	sld [smem:$0x3FFE];
	[sflag:s23] =	ssyncadd.s32 $0xFFFFFFFF  }
0xa5: {  	s26 =	simm.s32 $execute0_lowered;
	[smem:$0x3FD2] =	sst s25  }
0xa6: {  	s4 =	sshll.u32 s26, $0x1;
	_ =	strace $0x8000004C;
	[dreg:$0x1] =	wrdreg $0xFFFFFFFF  }
0xa7: {  	s28 =	simm.s32 $_size_execute0_lowered;
	s2 =	sadd.s32 s2, s4;
	[dreg:$0x0] =	wrdreg $0x0  }
0xa8: {  	s4 =	sshll.u32 s28, $0x1;
	[dreg:$0x2] =	wrdreg s2  }
0xa9: {  	[dreg:$0x3] =	wrdreg s4  }
0xaa: {  	[dreg:$0x4] =	wrdreg $0xC0  }
0xab: {  	_ =	task [dreg:s6], $0x5FFFF  }
0xac: {  	[dreg:$0x1] =	wrdreg $0xFFFFFFFF  }
0xad: {  	[dreg:$0x0] =	wrdreg $0x60  }
0xae: {  	[dreg:$0x2] =	wrdreg s24  }
0xaf: {  	[dreg:$0x3] =	wrdreg $0x41000  }
0xb0: {  	[dreg:$0x4] =	wrdreg $0x9  }
0xb1: {  	_ =	task.clear_ibuf [dreg:s6], $0x5FFFF;
	_ =	strace $0x9000004C  }
0xb2: {  	s29 =	simm.s32 $0x9;
	_ =	strace $0x8000004E  }
0xb3: {  	_ =	swait.ge [sflag:s29], $0x1  }
0xb4: {  	[sflag:s29] =	ssyncadd.s32 $0xFFFFFFFF  }
0xb5: {  	_ =	strace $0x9000004E  }
0xb6: {  	_ =	sfence  }
0xb7: {  	s30 =	sld [smem:$0x0];
	_ =	sdelay $0x2  }
0xb8: {  	s31 =	sshll.u32 s1, $0xD;
	s1 =	sshrl.u32 s1, $0x2  }
0xb9: {  	s3 =	sand.u32 $0x4000, s31;
	s1 =	sadd.s32 s1, s30  }
0xba: {  	s0 =	sor.u32 s3, s0;
	s1 =	sshll.u32 s1, $0x11  }
0xbb: {  	s0 =	sor.u32 s1, s0  }
0xbc: {  	s0 =	sadd.s32 $0x8F2B, s0  }
0xbd: {  	[sflag:s0] =	ssyncadd.remote.s32 $0x1  }
0xbe: {  	_ =	sfence.sel $0xFFFF  }
0xbf: {  	[dreg:$0x0] =	wrdreg $0xFFFFFFFF;
	(pc) =	sbr.abs _section_cstart, $3  }
0xc0: {  	[dreg:$0x1] =	wrdreg $0xFFFFFFFF  }
0xc1: {  	_ =	task.clear_ibuf [dreg:s6], $0x2FFFF;
	_ =	strace $0x9FFFFFFF  }
0xc2: {  	(tm) =	ssettm $0x7FFFFFFF  }
0xc3: {  	_ =	shalt  }
tec
execute0_lowered:
.L_overlay_start_1:
0x0: {  	(tag) =	ssettag $0x1  }
0x1: {  	s6 =	rddreg [dreg:$0x0];
	s0 =	srdreg.scid  }
0x2: {  	s2 =	rddreg [dreg:$0x1];
	s1 =	stileid.u32;
	s3 =	simm.s32 $0x0  }
0x3: {  	s14 =	simm.s32 $0x100;
	s15 =	simm.s32 $0x1;
	s8 =	smul.u32 $0x13C00, s1  }
0x4: {  	s7 =	sand.u32 $0x1, s0;
	s0 =	rddreg [dreg:$0x2];
	s10 =	smul.u32 $0x4F000, s1  }
0x5: {  	s16 =	simm.s32 $0x0;
	[smem:$0x7FF] =	sst s3;
	s11 =	smul.u32 $0x500, s1  }
0x6: {  	s4 =	sadd.s32 $0x17000, s6;
	s30 =	sshll.u32 s1, $0x6;
	s5 =	smul.u32 $0x13C000, s7  }
0x7: {  	s9 =	smul.u32 $0x5000, s7;
	_ =	strace $0x8000004D;
	s29 =	ssub.s32 $0x2, s7  }
0x8: {  	s7 =	sshrl.u32 s29, $0x1;
	s10 =	sshrl.u32 s10, $0x2;
	s5 =	sadd.s32 s8, s5  }
0x9: {  	s26 =	sadd.s32 s9, s6;
	s12 =	ssub.s32 s29, s7;
	s13 =	sadd.s32 s10, s2  }
0xa: {  	s28 =	sshrl.u32 s5, $0x3;
	s5 =	sadd.s32 $0x3E200, s6;
	s31 =	sadd.s32 s11, s26  }
0xb: {  	s8 =	smax.u32 s12, $0x1;
	s11 =	sshrl.u32 s13, $0x3;
	s12 =	simm.s32 $0x2  }
0xc: {  	s13 =	simm.s32 $0x80;
	s9 =	sadd.s32 s28, s6;
	s6 =	sor.u32 $0x1C02, s30  }
0xd: {  	s10 =	sadd.s32 $0xD000, s31;
	s7 =	sadd.s32 $0x40A00, s9;
	s9 =	sadd.s32 $0x3000, s31  }
.LBB2_1:
0xe: {  	[spmem:s11], [sflag:s6] =	dma.local [hbm:s5], $0x2780  }
0xf: {  	_ =	swait.ge [sflag:s12], $0x2780  }
0x10: {  	[sflag:s12] =	ssyncset.done $0x0  }
0x11: {  	[sflag:s12] =	ssyncadd.s32 $0xFFFFD880  }
0x12: {  	s17 =	sadd.s32 $0x0, s10;
	[bflag:$0x0] =	sbarrier.arrive $0xFFFF  }
0x13: {  	[tilespmem:s3], [sflag:$0x2] =	stream.linear.gather [hbm4b:s17+s3], $0x80, $0x38;
	[tilespmem:$0x17D00] =	vst v63  }
0x14: {  	_ =	swait.ge [sflag:s12], $0x80  }
0x15: {  	[sflag:s12] =	ssyncset.done $0x0  }
0x16: {  	s31 =	sadd.s32 $0x0, s9;
	[sflag:s12] =	ssyncadd.s32 $0xFFFFFF80  }
0x17: {  	[tilespmem:s13], [sflag:$0x2] =	stream.linear.gather [hbm4b:s31+s3], $0x80, $0x38;
	[tilespmem:$0x17D00] =	vst v63  }
0x18: {  	_ =	swait.ge [sflag:s12], $0x80  }
0x19: {  	[sflag:s12] =	ssyncset.done $0x0  }
0x1a: {  	[sflag:s12] =	ssyncadd.s32 $0xFFFFFF80  }
0x1b: {  	[tilespmem:s14], [sflag:$0x1] =	stream.indirect.gather [hbm4b:s4+s13], $0x80, s3, s13, $0xb8;
	[tilespmem:$0x17D00] =	vst v63  }
0x1c: {  	_ =	swait.ge [sflag:s15], $0x4000  }
0x1d: {  	[sflag:s15] =	ssyncset.done $0x0  }
0x1e: {  	[sflag:s15] =	ssyncadd.s32 $0xFFFFC000  }
0x1f: {  	[spmem:s2] =	stream.indirect.scatter.add.f32 [tilespmem:s14], [sflag:$0x2], $0x80, s13, s13, $0xb8;
	[tilespmem:$0x17D00] =	vst v63  }
0x20: {  	_ =	swait.ge [sflag:s12], $0x4000  }
0x21: {  	s18 =	simm.s32 $0x20;
	s17 =	simm.s32 $0x10;
	[sflag:s12] =	ssyncset.done $0x0  }
.LBB2_2:
0x22: {  	s19 =	sadd.s32 s17, s10  }
0x23: {  	[sflag:s12] =	ssyncadd.s32 $0xFFFFC000;
	s20 =	smov.u32 s18;
	s21 =	sadd.s32 $0x10, s18  }
0x24: {  	[tilespmem:s3], [sflag:$0x2] =	stream.linear.gather [hbm4b:s19+s3], $0x80, $0x38;
	[tilespmem:$0x17D00] =	vst v63  }
0x25: {  	p0 =	sne.s32 s18, $0x4F0;
	_ =	swait.ge [sflag:s12], $0x80  }
0x26: {  	[sflag:s12] =	ssyncset.done $0x0  }
0x27: {  	s18 =	sadd.s32 s17, s9;
	s17 =	smov.u32 s20;
	[sflag:s12] =	ssyncadd.s32 $0xFFFFFF80  }
0x28: {  	[tilespmem:s13], [sflag:$0x2] =	stream.linear.gather [hbm4b:s18+s3], $0x80, $0x38;
	[tilespmem:$0x17D00] =	vst v63  }
0x29: {  	_ =	swait.ge [sflag:s12], $0x80  }
0x2a: {  	[sflag:s12] =	ssyncset.done $0x0  }
0x2b: {  	[sflag:s12] =	ssyncadd.s32 $0xFFFFFF80  }
0x2c: {  	[tilespmem:s14], [sflag:$0x1] =	stream.indirect.gather [hbm4b:s4+s13], $0x80, s3, s13, $0xb8;
	[tilespmem:$0x17D00] =	vst v63  }
0x2d: {  	_ =	swait.ge [sflag:s15], $0x4000  }
.Ltmp0:
0x2e: {  	[sflag:s15] =	ssyncset.done $0x0;
	(pc) =	sbr.rel @p0 .LBB2_2-.Ltmp0, $4  }
0x2f: {  	[sflag:s15] =	ssyncadd.s32 $0xFFFFC000  }
0x30: {  	[spmem:s2] =	stream.indirect.scatter.add.f32 [tilespmem:s14], [sflag:$0x2], $0x80, s13, s13, $0xb8;
	[tilespmem:$0x17D00] =	vst v63  }
0x31: {  	_ =	swait.ge [sflag:s12], $0x4000  }
0x32: {  	s18 =	smov.u32 s21;
	[sflag:s12] =	ssyncset.done $0x0  }
0x33: {  	s18 =	sadd.s32 s17, s10;
	[sflag:s12] =	ssyncadd.s32 $0xFFFFC000  }
0x34: {  	[tilespmem:s3], [sflag:$0x2] =	stream.linear.gather [hbm4b:s18+s3], $0x80, $0x38;
	[tilespmem:$0x17D00] =	vst v63  }
0x35: {  	_ =	swait.ge [sflag:s12], $0x80  }
0x36: {  	[sflag:s12] =	ssyncset.done $0x0  }
0x37: {  	s31 =	sadd.s32 s17, s9;
	[sflag:s12] =	ssyncadd.s32 $0xFFFFFF80  }
0x38: {  	[tilespmem:s13], [sflag:$0x2] =	stream.linear.gather [hbm4b:s31+s3], $0x80, $0x38;
	[tilespmem:$0x17D00] =	vst v63  }
0x39: {  	_ =	swait.ge [sflag:s12], $0x80  }
0x3a: {  	[sflag:s12] =	ssyncset.done $0x0  }
0x3b: {  	[sflag:s12] =	ssyncadd.s32 $0xFFFFFF80  }
0x3c: {  	[tilespmem:s14], [sflag:$0x1] =	stream.indirect.gather [hbm4b:s4+s13], $0x80, s3, s13, $0xb8;
	[tilespmem:$0x17D00] =	vst v63  }
0x3d: {  	_ =	swait.ge [sflag:s15], $0x4000  }
0x3e: {  	[sflag:s15] =	ssyncset.done $0x0  }
0x3f: {  	[sflag:s15] =	ssyncadd.s32 $0xFFFFC000  }
0x40: {  	[spmem:s2] =	stream.indirect.scatter.add.f32 [tilespmem:s14], [sflag:$0x2], $0x80, s13, s13, $0xb8;
	[tilespmem:$0x17D00] =	vst v63  }
0x41: {  	_ =	swait.ge [sflag:s12], $0x4000  }
0x42: {  	s16 =	sadd.s32 $0x1, s16;
	[sflag:s12] =	ssyncset.done $0x0  }
0x43: {  	p0 =	sne.s32 s16, s8;
	[sflag:s12] =	ssyncadd.s32 $0xFFFFC000  }
.Ltmp1:
0x44: {  	[bflag:$0x0] =	sbarrier.arrive $0xFFFF;
	(pc) =	sbr.rel @p0 .LBB2_1-.Ltmp1, $4  }
0x45: {  	[hbm:s7], [sflag:s6] =	dma.local [spmem:s11], $0x2780  }
0x46: {  	_ =	swait.ge [sflag:s12], $0x2780  }
0x47: {  	[sflag:s12] =	ssyncset.done $0x0  }
0x48: {  	[sflag:s12] =	ssyncadd.s32 $0xFFFFD880  }
0x49: {  	_ =	sfence.sel $0x180000  }
0x4a: {  	[bflag:$0x0] =	sbarrier.arrive $0xFFFF  }
0x4b: {  	p0 =	sne.s32 s1, $0x0;
	_ =	strace $0x9000004D  }
0x4c: {  	s0 =	sadd.s32 @!p0 $0x100000, s0;
	[bflag:$0x2] =	sbarrier.arrive $0xFFFF  }
0x4d: {  	[sflag:s0] =	ssyncadd.tile.s32 @!p0 $0x1;
	_ =	shalt  }
.Lfunc_end2:
_tile_overlayer_lowered:
.L_overlay_start_2:
0x4e: {  	(tag) =	ssettag $0x2  }
0x4f: {  	s0 =	rddreg [dreg:$0x0];
	s2 =	stileid.u32  }
0x50: {  	s1 =	rddreg [dreg:$0x1];
	p0 =	sne.s32 s2, $0x0  }
0x51: {  	s3 =	rddreg [dreg:$0x2];
	[bflag:$0x3] =	sbarrier.arrive $0xFFFF;
	s2 =	simm.s32 @!p0 $0x1C02  }
0x52: {  	[timem:s3], [sflag:s2] =	dma.local @!p0 [hbm:s0], s1  }
0x53: {  	s0 =	simm.s32 @!p0 $0x2  }
0x54: {  	_ =	swait.ge @!p0 [sflag:s0], s1  }
0x55: {  	s1 =	ssub.s32 @!p0 $0x0, s1;
	[sflag:s0] =	ssyncset.done @!p0 $0x0  }
0x56: {  	[sflag:s0] =	ssyncadd.s32 @!p0 s1  }
0x57: {  	[bflag:$0x3] =	sbarrier.arrive $0xFFFF  }
0x58: {  	_ =	shalt  }

</sc_bundles>
